<compile_context>
chip_gen: v7x
topology: tpu7x:2x2x1
jax: 0.10.2.dev20260603
libtpu: 0.0.44.dev20260713+nightly
codegen_flags: <defaults>
</compile_context>

<pallas_src>
import functools

import jax
import jax.numpy as jnp
from jax import lax
from jax.experimental import pallas as pl
from jax.experimental.pallas import tpu as pltpu
from jax.experimental.pallas import tpu_sc as plsc

_L, _N, _C, _G = 4, 16384, 128, 16
_NC, _NS = 2, 16
_NW = _NC * _NS
_R = _L * _N
_WPL = _NW // _L
_SCN = 3
_Q = _SCN * _N // 8 // _WPL
_CH = 128
_NCHUNK = _Q // _CH
_VL = 16
_NV = _C // _VL
_BLK = 2048
_NBL = (8 - _SCN) * _N // 8 // _BLK
_TCOFF = _SCN * _N // 8 // _BLK


def _sc_partial_colsums(x_flat):
    mesh = plsc.VectorSubcoreMesh(core_axis_name="c", subcore_axis_name="s")

    @functools.partial(
        pl.kernel,
        out_type=jax.ShapeDtypeStruct((_NW, _C), jnp.float32),
        mesh=mesh,
        scratch_types=[
            pltpu.VMEM((2, _CH, _C), jnp.float32),
            pltpu.VMEM((_C,), jnp.float32),
            pltpu.SemaphoreType.DMA,
            pltpu.SemaphoreType.DMA,
        ],
    )
    def body(x_hbm, out_hbm, buf, accv, sem0, sem1):
        wid = lax.axis_index("c") * _NS + lax.axis_index("s")
        layer = wid // _WPL
        base = layer * _N + (wid % _WPL) * _Q
        sems = (sem0, sem1)
        lanes = lax.iota(jnp.int32, _VL)
        perms = [lanes ^ m for m in (8, 4, 2, 1)]
        _gdn = lax.GatherDimensionNumbers(
            offset_dims=(), collapsed_slice_dims=(0,), start_index_map=(0,)
        )

        def lane_permute(v, p):
            return lax.gather(
                v,
                p[:, None],
                dimension_numbers=_gdn,
                slice_sizes=(1,),
                mode=lax.GatherScatterMode.PROMISE_IN_BOUNDS,
            )

        def start(i):
            return pltpu.async_copy(
                x_hbm.at[pl.ds(base + i * _CH, _CH)], buf.at[i % 2], sems[i % 2]
            )

        accs = tuple(jnp.zeros((_VL,), jnp.float32) for _ in range(_NV))
        handle = start(0)
        for i in range(_NCHUNK):
            nxt = start(i + 1) if i + 1 < _NCHUNK else None
            handle.wait()
            b = i % 2

            def row_body(j, accs, b=b):
                vs = [
                    jnp.exp(buf[b, j, pl.ds(k * _VL, _VL)]) for k in range(_NV)
                ]
                total = ((vs[0] + vs[1]) + (vs[2] + vs[3])) + (
                    (vs[4] + vs[5]) + (vs[6] + vs[7])
                )
                for p in perms:
                    total = total + lane_permute(total, p)
                inv = 1.0 / total
                return tuple(a + v * inv for a, v in zip(accs, vs))

            accs = lax.fori_loop(0, _CH, row_body, accs)
            handle = nxt

        for k in range(_NV):
            accv[pl.ds(k * _VL, _VL)] = accs[k]
        pltpu.sync_copy(accv, out_hbm.at[wid])

    return body(x_flat)


def _tc_partial_colsums(x_flat):

    def body(x0_ref, x1_ref, o_ref):
        acc = jnp.zeros((1, _C), jnp.float32)
        for r in (x0_ref, x1_ref):
            e = jnp.exp(r[...])
            p = e * (1.0 / jnp.sum(e, axis=1, keepdims=True))
            acc = acc + jnp.sum(p, axis=0, keepdims=True)
        o_ref[...] = acc[None]

    nb = _L * _NBL
    hb = _BLK // 2
    out = pl.pallas_call(
        body,
        grid=(_L, _NBL),
        compiler_params=pltpu.CompilerParams(
            dimension_semantics=("parallel", "parallel")
        ),
        in_specs=[
            pl.BlockSpec(
                (hb, _C),
                lambda l, b: (l * (_N // hb) + 2 * (_TCOFF + b), 0),
            ),
            pl.BlockSpec(
                (hb, _C),
                lambda l, b: (l * (_N // hb) + 2 * (_TCOFF + b) + 1, 0),
            ),
        ],
        out_specs=pl.BlockSpec((1, 1, _C), lambda l, b: (l * _NBL + b, 0, 0)),
        out_shape=jax.ShapeDtypeStruct((nb, 1, _C), jnp.float32),
    )(x_flat, x_flat)
    return out.reshape(nb, _C)


def _tc_finish(sc_parts, tc_parts, targets):

    def body(p_ref, q_ref, t_ref, o_ref):
        p = p_ref[...]
        q = q_ref[...]
        lsel_p = (
            lax.broadcasted_iota(jnp.int32, (_L, _NW), 1) // _WPL
            == lax.broadcasted_iota(jnp.int32, (_L, _NW), 0)
        ).astype(jnp.float32)
        lsel_q = (
            lax.broadcasted_iota(jnp.int32, (_L, _L * _NBL), 1) // _NBL
            == lax.broadcasted_iota(jnp.int32, (_L, _L * _NBL), 0)
        ).astype(jnp.float32)
        colsum = jnp.dot(
            lsel_p, p, preferred_element_type=jnp.float32
        ) + jnp.dot(lsel_q, q, preferred_element_type=jnp.float32)
        gsel = (
            lax.broadcasted_iota(jnp.int32, (_C, _G), 0) // (_C // _G)
            == lax.broadcasted_iota(jnp.int32, (_C, _G), 1)
        ).astype(jnp.float32)
        avg = jnp.dot(colsum, gsel, preferred_element_type=jnp.float32) / _N
        sp = jax.nn.softmax(avg, axis=1)
        t = jax.nn.softmax(t_ref[...] / 100.0, axis=1)
        kl = (
            jnp.sum(t * (jnp.log(t) - jnp.log(sp + 1e-8)), axis=1, keepdims=True)
            / _G
        )
        o_ref[...] = jnp.sum(kl, axis=0, keepdims=True) / _L

    return pl.pallas_call(
        body,
        out_shape=jax.ShapeDtypeStruct((1, 1), jnp.float32),
    )(sc_parts, tc_parts, targets)


def kernel(inputs_list, targets_list):
    x_flat = inputs_list.reshape(_R, _C)
    sc_parts = _sc_partial_colsums(x_flat)
    tc_parts = _tc_partial_colsums(x_flat)
    loss = _tc_finish(sc_parts, tc_parts, targets_list)
    return loss.reshape(())

# --- scband reference (transcript-rebuilt; emitter-appended) ---
"""Pipeline reference for scband-grouped-loss-with-index-map-89300960018699 (READ-ONLY COPY).

The authoritative reference and input builder live on the scoring server;
editing this copy changes nothing except your own understanding.
"""

import jax, jax.numpy as jnp
import numpy as np

L, N, C, G = 4, 16384, 128, 16
# index_map: coarse class g <- fine classes [8g, 8g+8); expressed as segment ids over columns
SEG_IDS = jnp.repeat(jnp.arange(G), C // G)  # [C], col -> group


def setup_inputs(seed: int = 0) -> dict:
    key = jax.random.key(seed)
    k1, k2 = jax.random.split(key)
    inputs_list = jax.random.normal(k1, (L, N, C), dtype=jnp.float32)
    targets_list = jax.random.uniform(k2, (L, G), dtype=jnp.float32) * 100.0
    return {"inputs_list": inputs_list, "targets_list": targets_list}


def reference(inputs_list, targets_list):
    batch_losses = []
    for i in range(L):
        inputs = jax.nn.softmax(inputs_list[i], axis=1)  # [N, C]
        # outputs[:, g] = sum_{old in index_map[g]} inputs[:, old]  (segment-sum over columns)
        outputs = jax.ops.segment_sum(inputs.T, SEG_IDS, num_segments=G).T  # [N, G]
        average_probabilities = outputs.mean(axis=0)  # [G]
        smoothed_probabilities = jax.nn.softmax(average_probabilities, axis=0)
        targets = targets_list[i] / 100.0
        smoothed_targets = jax.nn.softmax(jnp.squeeze(targets), axis=0)
        log_probabilities = jnp.log(smoothed_probabilities + 1e-08)
        # torch.nn.KLDivLoss(reduction='batchmean'): sum(t * (log t - logp)) / input.shape[0]
        kl = jnp.sum(smoothed_targets * (jnp.log(smoothed_targets) - log_probabilities)) / G
        batch_losses.append(kl)
    return jnp.mean(jnp.stack(batch_losses))

if __name__ == "__main__":
    import jax
    _d = setup_inputs()
    print(jax.jit(kernel)(*tuple(_d.values())))

</pallas_src>

<mosaic_0001>
#map = affine_map<(d0, d1) -> (0, 0)>
module attributes {stable_mosaic.version = 14 : i64} {
  func.func @body(%arg0: i32, %arg1: i32, %arg2: memref<65536x128xf32, #tpu.memory_space<hbm>>, %arg3: memref<32x128xf32, #tpu.memory_space<hbm>>, %arg4: memref<2x128x128xf32, #tpu.memory_space<vmem>>, %arg5: memref<128xf32, #tpu.memory_space<vmem>>, %arg6: memref<!tpu.dma_semaphore, #tpu.memory_space<semaphore_mem>>, %arg7: memref<!tpu.dma_semaphore, #tpu.memory_space<semaphore_mem>>) attributes {dimension_semantics = [#tpu.dimension_semantics<core_parallel>, #tpu.dimension_semantics<subcore_parallel>], iteration_bounds = array<i64: 2, 16>, scalar_prefetch = 0 : i64, scratch_operands = 4 : i64, tpu.core_type = #tpu.core_type<sc_vector_subcore>, window_params = [{transform_indices = #map}, {transform_indices = #map}]} {
    %mul3A = arith.constant 16 : i32
    %mul3A_0 = arith.muli %arg0, %mul3A : i32
    %add3A = arith.addi %mul3A_0, %arg1 : i32
    %jit3A = arith.constant 8 : i32
    %div3A = arith.divsi %add3A, %jit3A : i32
    %sign3A = arith.constant 0 : i32
    %sign3A_1 = arith.cmpi sgt, %add3A, %sign3A : i32
    %sign3A_2 = arith.extui %sign3A_1 : i1 to i32
    %sign3A_3 = arith.constant 0 : i32
    %sign3A_4 = arith.cmpi slt, %add3A, %sign3A_3 : i32
    %sign3A_5 = arith.extui %sign3A_4 : i1 to i32
    %sign3A_6 = arith.subi %sign3A_2, %sign3A_5 : i32
    %sign3A_7 = arith.constant 0 : i32
    %sign3A_8 = arith.cmpi sgt, %jit3A, %sign3A_7 : i32
    %sign3A_9 = arith.extui %sign3A_8 : i1 to i32
    %sign3A_10 = arith.constant 0 : i32
    %sign3A_11 = arith.cmpi slt, %jit3A, %sign3A_10 : i32
    %sign3A_12 = arith.extui %sign3A_11 : i1 to i32
    %sign3A_13 = arith.subi %sign3A_9, %sign3A_12 : i32
    %ne3A = arith.cmpi ne, %sign3A_6, %sign3A_13 : i32
    %rem3A = arith.remsi %add3A, %jit3A : i32
    %ne3A_14 = arith.constant 0 : i32
    %ne3A_15 = arith.cmpi ne, %rem3A, %ne3A_14 : i32
    %and3A = arith.andi %ne3A, %ne3A_15 : i1
    %sub3A = arith.constant 1 : i32
    %sub3A_16 = arith.subi %div3A, %sub3A : i32
    %select_n3A = arith.select %and3A, %sub3A_16, %div3A : i32
    %mul3A_17 = arith.constant 16384 : i32
    %mul3A_18 = arith.muli %select_n3A, %mul3A_17 : i32
    %jit3A_19 = arith.constant 8 : i32
    %eq3A = arith.constant 0 : i32
    %eq3A_20 = arith.cmpi eq, %jit3A_19, %eq3A : i32
    %jit3A_21 = arith.constant 1 : i32
    %select_n3A_22 = arith.select %eq3A_20, %jit3A_21, %jit3A_19 : i32
    %rem3A_23 = arith.remsi %add3A, %select_n3A_22 : i32
    %ne3A_24 = arith.constant 0 : i32
    %ne3A_25 = arith.cmpi ne, %rem3A_23, %ne3A_24 : i32
    %lt3A = arith.constant 0 : i32
    %lt3A_26 = arith.cmpi slt, %rem3A_23, %lt3A : i32
    %lt3A_27 = arith.constant 0 : i32
    %lt3A_28 = arith.cmpi slt, %select_n3A_22, %lt3A_27 : i32
    %ne3A_29 = arith.xori %lt3A_26, %lt3A_28 : i1
    %and3A_30 = arith.andi %ne3A_29, %ne3A_25 : i1
    %add3A_31 = arith.addi %rem3A_23, %select_n3A_22 : i32
    %select_n3A_32 = arith.select %and3A_30, %add3A_31, %rem3A_23 : i32
    %mul3A_33 = arith.constant 768 : i32
    %mul3A_34 = arith.muli %select_n3A_32, %mul3A_33 : i32
    %add3A_35 = arith.addi %mul3A_18, %mul3A_34 : i32
    %iota3A = tpu.iota {dimensions = array<i32: 0>} : vector<16xi32>
    %xor3A = arith.constant 8 : i32
    %xor3A_36 = vector.broadcast %xor3A : i32 to vector<16xi32>
    %xor3A_37 = arith.xori %iota3A, %xor3A_36 : vector<16xi32>
    %xor3A_38 = arith.constant 4 : i32
    %xor3A_39 = vector.broadcast %xor3A_38 : i32 to vector<16xi32>
    %xor3A_40 = arith.xori %iota3A, %xor3A_39 : vector<16xi32>
    %xor3A_41 = arith.constant 2 : i32
    %xor3A_42 = vector.broadcast %xor3A_41 : i32 to vector<16xi32>
    %xor3A_43 = arith.xori %iota3A, %xor3A_42 : vector<16xi32>
    %xor3A_44 = arith.constant 1 : i32
    %xor3A_45 = vector.broadcast %xor3A_44 : i32 to vector<16xi32>
    %xor3A_46 = arith.xori %iota3A, %xor3A_45 : vector<16xi32>
    %broadcast_in_dim3A = arith.constant 0.000000e+00 : f32
    %broadcast_in_dim3A_47 = vector.broadcast %broadcast_in_dim3A : f32 to vector<16xf32>
    %broadcast_in_dim3A_48 = arith.constant 0.000000e+00 : f32
    %broadcast_in_dim3A_49 = vector.broadcast %broadcast_in_dim3A_48 : f32 to vector<16xf32>
    %broadcast_in_dim3A_50 = arith.constant 0.000000e+00 : f32
    %broadcast_in_dim3A_51 = vector.broadcast %broadcast_in_dim3A_50 : f32 to vector<16xf32>
    %broadcast_in_dim3A_52 = arith.constant 0.000000e+00 : f32
    %broadcast_in_dim3A_53 = vector.broadcast %broadcast_in_dim3A_52 : f32 to vector<16xf32>
    %broadcast_in_dim3A_54 = arith.constant 0.000000e+00 : f32
    %broadcast_in_dim3A_55 = vector.broadcast %broadcast_in_dim3A_54 : f32 to vector<16xf32>
    %broadcast_in_dim3A_56 = arith.constant 0.000000e+00 : f32
    %broadcast_in_dim3A_57 = vector.broadcast %broadcast_in_dim3A_56 : f32 to vector<16xf32>
    %broadcast_in_dim3A_58 = arith.constant 0.000000e+00 : f32
    %broadcast_in_dim3A_59 = vector.broadcast %broadcast_in_dim3A_58 : f32 to vector<16xf32>
    %broadcast_in_dim3A_60 = arith.constant 0.000000e+00 : f32
    %broadcast_in_dim3A_61 = vector.broadcast %broadcast_in_dim3A_60 : f32 to vector<16xf32>
    %add3A_62 = arith.constant 0 : i32
    %add3A_63 = arith.addi %add3A_35, %add3A_62 : i32
    %dma_start3A = arith.constant 0 : i32
    %dma_start3A_64 = arith.constant 0 : i32
    %dma_start3A_65 = arith.constant 0 : i32
    %dma_start3A_66 = tpu.memref_slice %arg4[%dma_start3A, %dma_start3A_64, %dma_start3A_65] : memref<2x128x128xf32, #tpu.memory_space<vmem>> -> memref<1x128x128xf32, #tpu.memory_space<vmem>>
    %dma_start3A_67 = tpu.memref_squeeze %dma_start3A_66 : memref<1x128x128xf32, #tpu.memory_space<vmem>> -> memref<128x128xf32, #tpu.memory_space<vmem>>
    %dma_start3A_68 = arith.constant 0 : i32
    %dma_start3A_69 = tpu.memref_slice %arg2[%add3A_63, %dma_start3A_68] : memref<65536x128xf32, #tpu.memory_space<hbm>> -> memref<128x128xf32, #tpu.memory_space<hbm>>
    %dma_start3A_70 = arith.constant 0 : i32
    %dma_start3A_71 = arith.constant 0 : i32
    %dma_start3A_72 = tpu.memref_slice %arg4[%dma_start3A, %dma_start3A_70, %dma_start3A_71] : memref<2x128x128xf32, #tpu.memory_space<vmem>> -> memref<1x128x128xf32, #tpu.memory_space<vmem>>
    %dma_start3A_73 = tpu.memref_squeeze %dma_start3A_72 : memref<1x128x128xf32, #tpu.memory_space<vmem>> -> memref<128x128xf32, #tpu.memory_space<vmem>>
    %dma_start3A_74 = arith.constant 0 : i32
    %dma_start3A_75 = tpu.memref_slice %arg2[%add3A_63, %dma_start3A_74] : memref<65536x128xf32, #tpu.memory_space<hbm>> -> memref<128x128xf32, #tpu.memory_space<hbm>>
    tpu.enqueue_dma source(%dma_start3A_75 : memref<128x128xf32, #tpu.memory_space<hbm>>) target(%dma_start3A_73 : memref<128x128xf32, #tpu.memory_space<vmem>>) target_semaphore(%arg6 : memref<!tpu.dma_semaphore, #tpu.memory_space<semaphore_mem>>)
    %add3A_76 = arith.constant 128 : i32
    %add3A_77 = arith.addi %add3A_35, %add3A_76 : i32
    %dma_start3A_78 = arith.constant 1 : i32
    %dma_start3A_79 = arith.constant 0 : i32
    %dma_start3A_80 = arith.constant 0 : i32
    %dma_start3A_81 = tpu.memref_slice %arg4[%dma_start3A_78, %dma_start3A_79, %dma_start3A_80] : memref<2x128x128xf32, #tpu.memory_space<vmem>> -> memref<1x128x128xf32, #tpu.memory_space<vmem>>
    %dma_start3A_82 = tpu.memref_squeeze %dma_start3A_81 : memref<1x128x128xf32, #tpu.memory_space<vmem>> -> memref<128x128xf32, #tpu.memory_space<vmem>>
    %dma_start3A_83 = arith.constant 0 : i32
    %dma_start3A_84 = tpu.memref_slice %arg2[%add3A_77, %dma_start3A_83] : memref<65536x128xf32, #tpu.memory_space<hbm>> -> memref<128x128xf32, #tpu.memory_space<hbm>>
    %dma_start3A_85 = arith.constant 0 : i32
    %dma_start3A_86 = arith.constant 0 : i32
    %dma_start3A_87 = tpu.memref_slice %arg4[%dma_start3A_78, %dma_start3A_85, %dma_start3A_86] : memref<2x128x128xf32, #tpu.memory_space<vmem>> -> memref<1x128x128xf32, #tpu.memory_space<vmem>>
    %dma_start3A_88 = tpu.memref_squeeze %dma_start3A_87 : memref<1x128x128xf32, #tpu.memory_space<vmem>> -> memref<128x128xf32, #tpu.memory_space<vmem>>
    %dma_start3A_89 = arith.constant 0 : i32
    %dma_start3A_90 = tpu.memref_slice %arg2[%add3A_77, %dma_start3A_89] : memref<65536x128xf32, #tpu.memory_space<hbm>> -> memref<128x128xf32, #tpu.memory_space<hbm>>
    tpu.enqueue_dma source(%dma_start3A_90 : memref<128x128xf32, #tpu.memory_space<hbm>>) target(%dma_start3A_88 : memref<128x128xf32, #tpu.memory_space<vmem>>) target_semaphore(%arg7 : memref<!tpu.dma_semaphore, #tpu.memory_space<semaphore_mem>>)
    %dma_wait3A = arith.constant 0 : i32
    %dma_wait3A_91 = arith.constant 0 : i32
    %dma_wait3A_92 = arith.constant 0 : i32
    %dma_wait3A_93 = tpu.memref_slice %arg4[%dma_wait3A, %dma_wait3A_91, %dma_wait3A_92] : memref<2x128x128xf32, #tpu.memory_space<vmem>> -> memref<1x128x128xf32, #tpu.memory_space<vmem>>
    %dma_wait3A_94 = tpu.memref_squeeze %dma_wait3A_93 : memref<1x128x128xf32, #tpu.memory_space<vmem>> -> memref<128x128xf32, #tpu.memory_space<vmem>>
    %dma_wait3A_95 = arith.constant 0 : i32
    %dma_wait3A_96 = tpu.memref_slice %arg2[%add3A_63, %dma_wait3A_95] : memref<65536x128xf32, #tpu.memory_space<hbm>> -> memref<128x128xf32, #tpu.memory_space<hbm>>
    %dma_wait3A_97 = arith.constant 0 : i32
    %dma_wait3A_98 = arith.constant 0 : i32
    %dma_wait3A_99 = tpu.memref_slice %arg4[%dma_wait3A, %dma_wait3A_97, %dma_wait3A_98] : memref<2x128x128xf32, #tpu.memory_space<vmem>> -> memref<1x128x128xf32, #tpu.memory_space<vmem>>
    %dma_wait3A_100 = tpu.memref_squeeze %dma_wait3A_99 : memref<1x128x128xf32, #tpu.memory_space<vmem>> -> memref<128x128xf32, #tpu.memory_space<vmem>>
    %dma_wait3A_101 = arith.constant 0 : i32
    %dma_wait3A_102 = tpu.memref_slice %arg2[%add3A_63, %dma_wait3A_101] : memref<65536x128xf32, #tpu.memory_space<hbm>> -> memref<128x128xf32, #tpu.memory_space<hbm>>
    tpu.wait_dma2 semaphore(%arg6 : memref<!tpu.dma_semaphore, #tpu.memory_space<semaphore_mem>>) src(%dma_wait3A_102 : memref<128x128xf32, #tpu.memory_space<hbm>>) dst(%dma_wait3A_100 : memref<128x128xf32, #tpu.memory_space<vmem>>)
    %scan3A = arith.constant 0 : i32
    %scan3A_103 = arith.constant 128 : i32
    %scan3A_104 = arith.addi %scan3A, %scan3A_103 : i32
    %scan3A_105 = arith.constant 1 : i32
    %scan3A_106:8 = scf.for %scan3A_294 = %scan3A to %scan3A_104 step %scan3A_105 iter_args(%scan3A_295 = %broadcast_in_dim3A_47, %scan3A_296 = %broadcast_in_dim3A_49, %scan3A_297 = %broadcast_in_dim3A_51, %scan3A_298 = %broadcast_in_dim3A_53, %scan3A_299 = %broadcast_in_dim3A_55, %scan3A_300 = %broadcast_in_dim3A_57, %scan3A_301 = %broadcast_in_dim3A_59, %scan3A_302 = %broadcast_in_dim3A_61) -> (vector<16xf32>, vector<16xf32>, vector<16xf32>, vector<16xf32>, vector<16xf32>, vector<16xf32>, vector<16xf32>, vector<16xf32>)  : i32 {
      %get3A = arith.constant 0 : i32
      %get3A_303 = arith.index_cast %get3A : i32 to index
      %get3A_304 = arith.index_cast %scan3A_294 : i32 to index
      %get3A_305 = arith.constant 0 : index
      %get3A_306 = tpu.vector_load %arg4[%get3A_303, %get3A_304, %get3A_305] {strides = array<i32>} : memref<2x128x128xf32, #tpu.memory_space<vmem>>, vector<1x1x16xf32>,
      %get3A_307 = vector.shape_cast %get3A_306 : vector<1x1x16xf32> to vector<16xf32>
      %exp3A = math.exp %get3A_307 : vector<16xf32>
      %get3A_308 = arith.constant 0 : i32
      %get3A_309 = arith.index_cast %get3A_308 : i32 to index
      %get3A_310 = arith.index_cast %scan3A_294 : i32 to index
      %get3A_311 = arith.constant 16 : index
      %get3A_312 = tpu.vector_load %arg4[%get3A_309, %get3A_310, %get3A_311] {strides = array<i32>} : memref<2x128x128xf32, #tpu.memory_space<vmem>>, vector<1x1x16xf32>,
      %get3A_313 = vector.shape_cast %get3A_312 : vector<1x1x16xf32> to vector<16xf32>
      %exp3A_314 = math.exp %get3A_313 : vector<16xf32>
      %get3A_315 = arith.constant 0 : i32
      %get3A_316 = arith.index_cast %get3A_315 : i32 to index
      %get3A_317 = arith.index_cast %scan3A_294 : i32 to index
      %get3A_318 = arith.constant 32 : index
      %get3A_319 = tpu.vector_load %arg4[%get3A_316, %get3A_317, %get3A_318] {strides = array<i32>} : memref<2x128x128xf32, #tpu.memory_space<vmem>>, vector<1x1x16xf32>,
      %get3A_320 = vector.shape_cast %get3A_319 : vector<1x1x16xf32> to vector<16xf32>
      %exp3A_321 = math.exp %get3A_320 : vector<16xf32>
      %get3A_322 = arith.constant 0 : i32
      %get3A_323 = arith.index_cast %get3A_322 : i32 to index
      %get3A_324 = arith.index_cast %scan3A_294 : i32 to index
      %get3A_325 = arith.constant 48 : index
      %get3A_326 = tpu.vector_load %arg4[%get3A_323, %get3A_324, %get3A_325] {strides = array<i32>} : memref<2x128x128xf32, #tpu.memory_space<vmem>>, vector<1x1x16xf32>,
      %get3A_327 = vector.shape_cast %get3A_326 : vector<1x1x16xf32> to vector<16xf32>
      %exp3A_328 = math.exp %get3A_327 : vector<16xf32>
      %get3A_329 = arith.constant 0 : i32
      %get3A_330 = arith.index_cast %get3A_329 : i32 to index
      %get3A_331 = arith.index_cast %scan3A_294 : i32 to index
      %get3A_332 = arith.constant 64 : index
      %get3A_333 = tpu.vector_load %arg4[%get3A_330, %get3A_331, %get3A_332] {strides = array<i32>} : memref<2x128x128xf32, #tpu.memory_space<vmem>>, vector<1x1x16xf32>,
      %get3A_334 = vector.shape_cast %get3A_333 : vector<1x1x16xf32> to vector<16xf32>
      %exp3A_335 = math.exp %get3A_334 : vector<16xf32>
      %get3A_336 = arith.constant 0 : i32
      %get3A_337 = arith.index_cast %get3A_336 : i32 to index
      %get3A_338 = arith.index_cast %scan3A_294 : i32 to index
      %get3A_339 = arith.constant 80 : index
      %get3A_340 = tpu.vector_load %arg4[%get3A_337, %get3A_338, %get3A_339] {strides = array<i32>} : memref<2x128x128xf32, #tpu.memory_space<vmem>>, vector<1x1x16xf32>,
      %get3A_341 = vector.shape_cast %get3A_340 : vector<1x1x16xf32> to vector<16xf32>
      %exp3A_342 = math.exp %get3A_341 : vector<16xf32>
      %get3A_343 = arith.constant 0 : i32
      %get3A_344 = arith.index_cast %get3A_343 : i32 to index
      %get3A_345 = arith.index_cast %scan3A_294 : i32 to index
      %get3A_346 = arith.constant 96 : index
      %get3A_347 = tpu.vector_load %arg4[%get3A_344, %get3A_345, %get3A_346] {strides = array<i32>} : memref<2x128x128xf32, #tpu.memory_space<vmem>>, vector<1x1x16xf32>,
      %get3A_348 = vector.shape_cast %get3A_347 : vector<1x1x16xf32> to vector<16xf32>
      %exp3A_349 = math.exp %get3A_348 : vector<16xf32>
      %get3A_350 = arith.constant 0 : i32
      %get3A_351 = arith.index_cast %get3A_350 : i32 to index
      %get3A_352 = arith.index_cast %scan3A_294 : i32 to index
      %get3A_353 = arith.constant 112 : index
      %get3A_354 = tpu.vector_load %arg4[%get3A_351, %get3A_352, %get3A_353] {strides = array<i32>} : memref<2x128x128xf32, #tpu.memory_space<vmem>>, vector<1x1x16xf32>,
      %get3A_355 = vector.shape_cast %get3A_354 : vector<1x1x16xf32> to vector<16xf32>
      %exp3A_356 = math.exp %get3A_355 : vector<16xf32>
      %add3A_357 = arith.addf %exp3A, %exp3A_314 : vector<16xf32>
      %add3A_358 = arith.addf %exp3A_321, %exp3A_328 : vector<16xf32>
      %add3A_359 = arith.addf %add3A_357, %add3A_358 : vector<16xf32>
      %add3A_360 = arith.addf %exp3A_335, %exp3A_342 : vector<16xf32>
      %add3A_361 = arith.addf %exp3A_349, %exp3A_356 : vector<16xf32>
      %add3A_362 = arith.addf %add3A_360, %add3A_361 : vector<16xf32>
      %add3A_363 = arith.addf %add3A_359, %add3A_362 : vector<16xf32>
      %broadcast_in_dim3A_364 = vector.shape_cast %xor3A_37 : vector<16xi32> to vector<16x1xi32>
      %gather3A = vector.shape_cast %broadcast_in_dim3A_364 : vector<16x1xi32> to vector<16xi32>
      %gather3A_365 = tpu.dynamic_gather %add3A_363[%gather3A] in [0] : vector<16xf32>, vector<16xi32> -> vector<16xf32>
      %add3A_366 = arith.addf %add3A_363, %gather3A_365 : vector<16xf32>
      %broadcast_in_dim3A_367 = vector.shape_cast %xor3A_40 : vector<16xi32> to vector<16x1xi32>
      %gather3A_368 = vector.shape_cast %broadcast_in_dim3A_367 : vector<16x1xi32> to vector<16xi32>
      %gather3A_369 = tpu.dynamic_gather %add3A_366[%gather3A_368] in [0] : vector<16xf32>, vector<16xi32> -> vector<16xf32>
      %add3A_370 = arith.addf %add3A_366, %gather3A_369 : vector<16xf32>
      %broadcast_in_dim3A_371 = vector.shape_cast %xor3A_43 : vector<16xi32> to vector<16x1xi32>
      %gather3A_372 = vector.shape_cast %broadcast_in_dim3A_371 : vector<16x1xi32> to vector<16xi32>
      %gather3A_373 = tpu.dynamic_gather %add3A_370[%gather3A_372] in [0] : vector<16xf32>, vector<16xi32> -> vector<16xf32>
      %add3A_374 = arith.addf %add3A_370, %gather3A_373 : vector<16xf32>
      %broadcast_in_dim3A_375 = vector.shape_cast %xor3A_46 : vector<16xi32> to vector<16x1xi32>
      %gather3A_376 = vector.shape_cast %broadcast_in_dim3A_375 : vector<16x1xi32> to vector<16xi32>
      %gather3A_377 = tpu.dynamic_gather %add3A_374[%gather3A_376] in [0] : vector<16xf32>, vector<16xi32> -> vector<16xf32>
      %add3A_378 = arith.addf %add3A_374, %gather3A_377 : vector<16xf32>
      %div3A_379 = arith.constant 1.000000e+00 : f32
      %div3A_380 = vector.broadcast %div3A_379 : f32 to vector<16xf32>
      %div3A_381 = arith.divf %div3A_380, %add3A_378 : vector<16xf32>
      %mul3A_382 = arith.mulf %exp3A, %div3A_381 : vector<16xf32>
      %add3A_383 = arith.addf %scan3A_295, %mul3A_382 : vector<16xf32>
      %mul3A_384 = arith.mulf %exp3A_314, %div3A_381 : vector<16xf32>
      %add3A_385 = arith.addf %scan3A_296, %mul3A_384 : vector<16xf32>
      %mul3A_386 = arith.mulf %exp3A_321, %div3A_381 : vector<16xf32>
      %add3A_387 = arith.addf %scan3A_297, %mul3A_386 : vector<16xf32>
      %mul3A_388 = arith.mulf %exp3A_328, %div3A_381 : vector<16xf32>
      %add3A_389 = arith.addf %scan3A_298, %mul3A_388 : vector<16xf32>
      %mul3A_390 = arith.mulf %exp3A_335, %div3A_381 : vector<16xf32>
      %add3A_391 = arith.addf %scan3A_299, %mul3A_390 : vector<16xf32>
      %mul3A_392 = arith.mulf %exp3A_342, %div3A_381 : vector<16xf32>
      %add3A_393 = arith.addf %scan3A_300, %mul3A_392 : vector<16xf32>
      %mul3A_394 = arith.mulf %exp3A_349, %div3A_381 : vector<16xf32>
      %add3A_395 = arith.addf %scan3A_301, %mul3A_394 : vector<16xf32>
      %mul3A_396 = arith.mulf %exp3A_356, %div3A_381 : vector<16xf32>
      %add3A_397 = arith.addf %scan3A_302, %mul3A_396 : vector<16xf32>
      scf.yield %add3A_383, %add3A_385, %add3A_387, %add3A_389, %add3A_391, %add3A_393, %add3A_395, %add3A_397 : vector<16xf32>, vector<16xf32>, vector<16xf32>, vector<16xf32>, vector<16xf32>, vector<16xf32>, vector<16xf32>, vector<16xf32>
    }
    %scan3A_107 = arith.constant 128 : i32
    %add3A_108 = arith.constant 256 : i32
    %add3A_109 = arith.addi %add3A_35, %add3A_108 : i32
    %dma_start3A_110 = arith.constant 0 : i32
    %dma_start3A_111 = arith.constant 0 : i32
    %dma_start3A_112 = arith.constant 0 : i32
    %dma_start3A_113 = tpu.memref_slice %arg4[%dma_start3A_110, %dma_start3A_111, %dma_start3A_112] : memref<2x128x128xf32, #tpu.memory_space<vmem>> -> memref<1x128x128xf32, #tpu.memory_space<vmem>>
    %dma_start3A_114 = tpu.memref_squeeze %dma_start3A_113 : memref<1x128x128xf32, #tpu.memory_space<vmem>> -> memref<128x128xf32, #tpu.memory_space<vmem>>
    %dma_start3A_115 = arith.constant 0 : i32
    %dma_start3A_116 = tpu.memref_slice %arg2[%add3A_109, %dma_start3A_115] : memref<65536x128xf32, #tpu.memory_space<hbm>> -> memref<128x128xf32, #tpu.memory_space<hbm>>
    %dma_start3A_117 = arith.constant 0 : i32
    %dma_start3A_118 = arith.constant 0 : i32
    %dma_start3A_119 = tpu.memref_slice %arg4[%dma_start3A_110, %dma_start3A_117, %dma_start3A_118] : memref<2x128x128xf32, #tpu.memory_space<vmem>> -> memref<1x128x128xf32, #tpu.memory_space<vmem>>
    %dma_start3A_120 = tpu.memref_squeeze %dma_start3A_119 : memref<1x128x128xf32, #tpu.memory_space<vmem>> -> memref<128x128xf32, #tpu.memory_space<vmem>>
    %dma_start3A_121 = arith.constant 0 : i32
    %dma_start3A_122 = tpu.memref_slice %arg2[%add3A_109, %dma_start3A_121] : memref<65536x128xf32, #tpu.memory_space<hbm>> -> memref<128x128xf32, #tpu.memory_space<hbm>>
    tpu.enqueue_dma source(%dma_start3A_122 : memref<128x128xf32, #tpu.memory_space<hbm>>) target(%dma_start3A_120 : memref<128x128xf32, #tpu.memory_space<vmem>>) target_semaphore(%arg6 : memref<!tpu.dma_semaphore, #tpu.memory_space<semaphore_mem>>)
    %dma_wait3A_123 = arith.constant 1 : i32
    %dma_wait3A_124 = arith.constant 0 : i32
    %dma_wait3A_125 = arith.constant 0 : i32
    %dma_wait3A_126 = tpu.memref_slice %arg4[%dma_wait3A_123, %dma_wait3A_124, %dma_wait3A_125] : memref<2x128x128xf32, #tpu.memory_space<vmem>> -> memref<1x128x128xf32, #tpu.memory_space<vmem>>
    %dma_wait3A_127 = tpu.memref_squeeze %dma_wait3A_126 : memref<1x128x128xf32, #tpu.memory_space<vmem>> -> memref<128x128xf32, #tpu.memory_space<vmem>>
    %dma_wait3A_128 = arith.constant 0 : i32
    %dma_wait3A_129 = tpu.memref_slice %arg2[%add3A_77, %dma_wait3A_128] : memref<65536x128xf32, #tpu.memory_space<hbm>> -> memref<128x128xf32, #tpu.memory_space<hbm>>
    %dma_wait3A_130 = arith.constant 0 : i32
    %dma_wait3A_131 = arith.constant 0 : i32
    %dma_wait3A_132 = tpu.memref_slice %arg4[%dma_wait3A_123, %dma_wait3A_130, %dma_wait3A_131] : memref<2x128x128xf32, #tpu.memory_space<vmem>> -> memref<1x128x128xf32, #tpu.memory_space<vmem>>
    %dma_wait3A_133 = tpu.memref_squeeze %dma_wait3A_132 : memref<1x128x128xf32, #tpu.memory_space<vmem>> -> memref<128x128xf32, #tpu.memory_space<vmem>>
    %dma_wait3A_134 = arith.constant 0 : i32
    %dma_wait3A_135 = tpu.memref_slice %arg2[%add3A_77, %dma_wait3A_134] : memref<65536x128xf32, #tpu.memory_space<hbm>> -> memref<128x128xf32, #tpu.memory_space<hbm>>
    tpu.wait_dma2 semaphore(%arg7 : memref<!tpu.dma_semaphore, #tpu.memory_space<semaphore_mem>>) src(%dma_wait3A_135 : memref<128x128xf32, #tpu.memory_space<hbm>>) dst(%dma_wait3A_133 : memref<128x128xf32, #tpu.memory_space<vmem>>)
    %scan3A_136 = arith.constant 0 : i32
    %scan3A_137 = arith.constant 128 : i32
    %scan3A_138 = arith.addi %scan3A_136, %scan3A_137 : i32
    %scan3A_139 = arith.constant 1 : i32
    %scan3A_140:8 = scf.for %scan3A_294 = %scan3A_136 to %scan3A_138 step %scan3A_139 iter_args(%scan3A_295 = %scan3A_106#0, %scan3A_296 = %scan3A_106#1, %scan3A_297 = %scan3A_106#2, %scan3A_298 = %scan3A_106#3, %scan3A_299 = %scan3A_106#4, %scan3A_300 = %scan3A_106#5, %scan3A_301 = %scan3A_106#6, %scan3A_302 = %scan3A_106#7) -> (vector<16xf32>, vector<16xf32>, vector<16xf32>, vector<16xf32>, vector<16xf32>, vector<16xf32>, vector<16xf32>, vector<16xf32>)  : i32 {
      %get3A = arith.constant 1 : i32
      %get3A_303 = arith.index_cast %get3A : i32 to index
      %get3A_304 = arith.index_cast %scan3A_294 : i32 to index
      %get3A_305 = arith.constant 0 : index
      %get3A_306 = tpu.vector_load %arg4[%get3A_303, %get3A_304, %get3A_305] {strides = array<i32>} : memref<2x128x128xf32, #tpu.memory_space<vmem>>, vector<1x1x16xf32>,
      %get3A_307 = vector.shape_cast %get3A_306 : vector<1x1x16xf32> to vector<16xf32>
      %exp3A = math.exp %get3A_307 : vector<16xf32>
      %get3A_308 = arith.constant 1 : i32
      %get3A_309 = arith.index_cast %get3A_308 : i32 to index
      %get3A_310 = arith.index_cast %scan3A_294 : i32 to index
      %get3A_311 = arith.constant 16 : index
      %get3A_312 = tpu.vector_load %arg4[%get3A_309, %get3A_310, %get3A_311] {strides = array<i32>} : memref<2x128x128xf32, #tpu.memory_space<vmem>>, vector<1x1x16xf32>,
      %get3A_313 = vector.shape_cast %get3A_312 : vector<1x1x16xf32> to vector<16xf32>
      %exp3A_314 = math.exp %get3A_313 : vector<16xf32>
      %get3A_315 = arith.constant 1 : i32
      %get3A_316 = arith.index_cast %get3A_315 : i32 to index
      %get3A_317 = arith.index_cast %scan3A_294 : i32 to index
      %get3A_318 = arith.constant 32 : index
      %get3A_319 = tpu.vector_load %arg4[%get3A_316, %get3A_317, %get3A_318] {strides = array<i32>} : memref<2x128x128xf32, #tpu.memory_space<vmem>>, vector<1x1x16xf32>,
      %get3A_320 = vector.shape_cast %get3A_319 : vector<1x1x16xf32> to vector<16xf32>
      %exp3A_321 = math.exp %get3A_320 : vector<16xf32>
      %get3A_322 = arith.constant 1 : i32
      %get3A_323 = arith.index_cast %get3A_322 : i32 to index
      %get3A_324 = arith.index_cast %scan3A_294 : i32 to index
      %get3A_325 = arith.constant 48 : index
      %get3A_326 = tpu.vector_load %arg4[%get3A_323, %get3A_324, %get3A_325] {strides = array<i32>} : memref<2x128x128xf32, #tpu.memory_space<vmem>>, vector<1x1x16xf32>,
      %get3A_327 = vector.shape_cast %get3A_326 : vector<1x1x16xf32> to vector<16xf32>
      %exp3A_328 = math.exp %get3A_327 : vector<16xf32>
      %get3A_329 = arith.constant 1 : i32
      %get3A_330 = arith.index_cast %get3A_329 : i32 to index
      %get3A_331 = arith.index_cast %scan3A_294 : i32 to index
      %get3A_332 = arith.constant 64 : index
      %get3A_333 = tpu.vector_load %arg4[%get3A_330, %get3A_331, %get3A_332] {strides = array<i32>} : memref<2x128x128xf32, #tpu.memory_space<vmem>>, vector<1x1x16xf32>,
      %get3A_334 = vector.shape_cast %get3A_333 : vector<1x1x16xf32> to vector<16xf32>
      %exp3A_335 = math.exp %get3A_334 : vector<16xf32>
      %get3A_336 = arith.constant 1 : i32
      %get3A_337 = arith.index_cast %get3A_336 : i32 to index
      %get3A_338 = arith.index_cast %scan3A_294 : i32 to index
      %get3A_339 = arith.constant 80 : index
      %get3A_340 = tpu.vector_load %arg4[%get3A_337, %get3A_338, %get3A_339] {strides = array<i32>} : memref<2x128x128xf32, #tpu.memory_space<vmem>>, vector<1x1x16xf32>,
      %get3A_341 = vector.shape_cast %get3A_340 : vector<1x1x16xf32> to vector<16xf32>
      %exp3A_342 = math.exp %get3A_341 : vector<16xf32>
      %get3A_343 = arith.constant 1 : i32
      %get3A_344 = arith.index_cast %get3A_343 : i32 to index
      %get3A_345 = arith.index_cast %scan3A_294 : i32 to index
      %get3A_346 = arith.constant 96 : index
      %get3A_347 = tpu.vector_load %arg4[%get3A_344, %get3A_345, %get3A_346] {strides = array<i32>} : memref<2x128x128xf32, #tpu.memory_space<vmem>>, vector<1x1x16xf32>,
      %get3A_348 = vector.shape_cast %get3A_347 : vector<1x1x16xf32> to vector<16xf32>
      %exp3A_349 = math.exp %get3A_348 : vector<16xf32>
      %get3A_350 = arith.constant 1 : i32
      %get3A_351 = arith.index_cast %get3A_350 : i32 to index
      %get3A_352 = arith.index_cast %scan3A_294 : i32 to index
      %get3A_353 = arith.constant 112 : index
      %get3A_354 = tpu.vector_load %arg4[%get3A_351, %get3A_352, %get3A_353] {strides = array<i32>} : memref<2x128x128xf32, #tpu.memory_space<vmem>>, vector<1x1x16xf32>,
      %get3A_355 = vector.shape_cast %get3A_354 : vector<1x1x16xf32> to vector<16xf32>
      %exp3A_356 = math.exp %get3A_355 : vector<16xf32>
      %add3A_357 = arith.addf %exp3A, %exp3A_314 : vector<16xf32>
      %add3A_358 = arith.addf %exp3A_321, %exp3A_328 : vector<16xf32>
      %add3A_359 = arith.addf %add3A_357, %add3A_358 : vector<16xf32>
      %add3A_360 = arith.addf %exp3A_335, %exp3A_342 : vector<16xf32>
      %add3A_361 = arith.addf %exp3A_349, %exp3A_356 : vector<16xf32>
      %add3A_362 = arith.addf %add3A_360, %add3A_361 : vector<16xf32>
      %add3A_363 = arith.addf %add3A_359, %add3A_362 : vector<16xf32>
      %broadcast_in_dim3A_364 = vector.shape_cast %xor3A_37 : vector<16xi32> to vector<16x1xi32>
      %gather3A = vector.shape_cast %broadcast_in_dim3A_364 : vector<16x1xi32> to vector<16xi32>
      %gather3A_365 = tpu.dynamic_gather %add3A_363[%gather3A] in [0] : vector<16xf32>, vector<16xi32> -> vector<16xf32>
      %add3A_366 = arith.addf %add3A_363, %gather3A_365 : vector<16xf32>
      %broadcast_in_dim3A_367 = vector.shape_cast %xor3A_40 : vector<16xi32> to vector<16x1xi32>
      %gather3A_368 = vector.shape_cast %broadcast_in_dim3A_367 : vector<16x1xi32> to vector<16xi32>
      %gather3A_369 = tpu.dynamic_gather %add3A_366[%gather3A_368] in [0] : vector<16xf32>, vector<16xi32> -> vector<16xf32>
      %add3A_370 = arith.addf %add3A_366, %gather3A_369 : vector<16xf32>
      %broadcast_in_dim3A_371 = vector.shape_cast %xor3A_43 : vector<16xi32> to vector<16x1xi32>
      %gather3A_372 = vector.shape_cast %broadcast_in_dim3A_371 : vector<16x1xi32> to vector<16xi32>
      %gather3A_373 = tpu.dynamic_gather %add3A_370[%gather3A_372] in [0] : vector<16xf32>, vector<16xi32> -> vector<16xf32>
      %add3A_374 = arith.addf %add3A_370, %gather3A_373 : vector<16xf32>
      %broadcast_in_dim3A_375 = vector.shape_cast %xor3A_46 : vector<16xi32> to vector<16x1xi32>
      %gather3A_376 = vector.shape_cast %broadcast_in_dim3A_375 : vector<16x1xi32> to vector<16xi32>
      %gather3A_377 = tpu.dynamic_gather %add3A_374[%gather3A_376] in [0] : vector<16xf32>, vector<16xi32> -> vector<16xf32>
      %add3A_378 = arith.addf %add3A_374, %gather3A_377 : vector<16xf32>
      %div3A_379 = arith.constant 1.000000e+00 : f32
      %div3A_380 = vector.broadcast %div3A_379 : f32 to vector<16xf32>
      %div3A_381 = arith.divf %div3A_380, %add3A_378 : vector<16xf32>
      %mul3A_382 = arith.mulf %exp3A, %div3A_381 : vector<16xf32>
      %add3A_383 = arith.addf %scan3A_295, %mul3A_382 : vector<16xf32>
      %mul3A_384 = arith.mulf %exp3A_314, %div3A_381 : vector<16xf32>
      %add3A_385 = arith.addf %scan3A_296, %mul3A_384 : vector<16xf32>
      %mul3A_386 = arith.mulf %exp3A_321, %div3A_381 : vector<16xf32>
      %add3A_387 = arith.addf %scan3A_297, %mul3A_386 : vector<16xf32>
      %mul3A_388 = arith.mulf %exp3A_328, %div3A_381 : vector<16xf32>
      %add3A_389 = arith.addf %scan3A_298, %mul3A_388 : vector<16xf32>
      %mul3A_390 = arith.mulf %exp3A_335, %div3A_381 : vector<16xf32>
      %add3A_391 = arith.addf %scan3A_299, %mul3A_390 : vector<16xf32>
      %mul3A_392 = arith.mulf %exp3A_342, %div3A_381 : vector<16xf32>
      %add3A_393 = arith.addf %scan3A_300, %mul3A_392 : vector<16xf32>
      %mul3A_394 = arith.mulf %exp3A_349, %div3A_381 : vector<16xf32>
      %add3A_395 = arith.addf %scan3A_301, %mul3A_394 : vector<16xf32>
      %mul3A_396 = arith.mulf %exp3A_356, %div3A_381 : vector<16xf32>
      %add3A_397 = arith.addf %scan3A_302, %mul3A_396 : vector<16xf32>
      scf.yield %add3A_383, %add3A_385, %add3A_387, %add3A_389, %add3A_391, %add3A_393, %add3A_395, %add3A_397 : vector<16xf32>, vector<16xf32>, vector<16xf32>, vector<16xf32>, vector<16xf32>, vector<16xf32>, vector<16xf32>, vector<16xf32>
    }
    %scan3A_141 = arith.constant 128 : i32
    %add3A_142 = arith.constant 384 : i32
    %add3A_143 = arith.addi %add3A_35, %add3A_142 : i32
    %dma_start3A_144 = arith.constant 1 : i32
    %dma_start3A_145 = arith.constant 0 : i32
    %dma_start3A_146 = arith.constant 0 : i32
    %dma_start3A_147 = tpu.memref_slice %arg4[%dma_start3A_144, %dma_start3A_145, %dma_start3A_146] : memref<2x128x128xf32, #tpu.memory_space<vmem>> -> memref<1x128x128xf32, #tpu.memory_space<vmem>>
    %dma_start3A_148 = tpu.memref_squeeze %dma_start3A_147 : memref<1x128x128xf32, #tpu.memory_space<vmem>> -> memref<128x128xf32, #tpu.memory_space<vmem>>
    %dma_start3A_149 = arith.constant 0 : i32
    %dma_start3A_150 = tpu.memref_slice %arg2[%add3A_143, %dma_start3A_149] : memref<65536x128xf32, #tpu.memory_space<hbm>> -> memref<128x128xf32, #tpu.memory_space<hbm>>
    %dma_start3A_151 = arith.constant 0 : i32
    %dma_start3A_152 = arith.constant 0 : i32
    %dma_start3A_153 = tpu.memref_slice %arg4[%dma_start3A_144, %dma_start3A_151, %dma_start3A_152] : memref<2x128x128xf32, #tpu.memory_space<vmem>> -> memref<1x128x128xf32, #tpu.memory_space<vmem>>
    %dma_start3A_154 = tpu.memref_squeeze %dma_start3A_153 : memref<1x128x128xf32, #tpu.memory_space<vmem>> -> memref<128x128xf32, #tpu.memory_space<vmem>>
    %dma_start3A_155 = arith.constant 0 : i32
    %dma_start3A_156 = tpu.memref_slice %arg2[%add3A_143, %dma_start3A_155] : memref<65536x128xf32, #tpu.memory_space<hbm>> -> memref<128x128xf32, #tpu.memory_space<hbm>>
    tpu.enqueue_dma source(%dma_start3A_156 : memref<128x128xf32, #tpu.memory_space<hbm>>) target(%dma_start3A_154 : memref<128x128xf32, #tpu.memory_space<vmem>>) target_semaphore(%arg7 : memref<!tpu.dma_semaphore, #tpu.memory_space<semaphore_mem>>)
    %dma_wait3A_157 = arith.constant 0 : i32
    %dma_wait3A_158 = arith.constant 0 : i32
    %dma_wait3A_159 = arith.constant 0 : i32
    %dma_wait3A_160 = tpu.memref_slice %arg4[%dma_wait3A_157, %dma_wait3A_158, %dma_wait3A_159] : memref<2x128x128xf32, #tpu.memory_space<vmem>> -> memref<1x128x128xf32, #tpu.memory_space<vmem>>
    %dma_wait3A_161 = tpu.memref_squeeze %dma_wait3A_160 : memref<1x128x128xf32, #tpu.memory_space<vmem>> -> memref<128x128xf32, #tpu.memory_space<vmem>>
    %dma_wait3A_162 = arith.constant 0 : i32
    %dma_wait3A_163 = tpu.memref_slice %arg2[%add3A_109, %dma_wait3A_162] : memref<65536x128xf32, #tpu.memory_space<hbm>> -> memref<128x128xf32, #tpu.memory_space<hbm>>
    %dma_wait3A_164 = arith.constant 0 : i32
    %dma_wait3A_165 = arith.constant 0 : i32
    %dma_wait3A_166 = tpu.memref_slice %arg4[%dma_wait3A_157, %dma_wait3A_164, %dma_wait3A_165] : memref<2x128x128xf32, #tpu.memory_space<vmem>> -> memref<1x128x128xf32, #tpu.memory_space<vmem>>
    %dma_wait3A_167 = tpu.memref_squeeze %dma_wait3A_166 : memref<1x128x128xf32, #tpu.memory_space<vmem>> -> memref<128x128xf32, #tpu.memory_space<vmem>>
    %dma_wait3A_168 = arith.constant 0 : i32
    %dma_wait3A_169 = tpu.memref_slice %arg2[%add3A_109, %dma_wait3A_168] : memref<65536x128xf32, #tpu.memory_space<hbm>> -> memref<128x128xf32, #tpu.memory_space<hbm>>
    tpu.wait_dma2 semaphore(%arg6 : memref<!tpu.dma_semaphore, #tpu.memory_space<semaphore_mem>>) src(%dma_wait3A_169 : memref<128x128xf32, #tpu.memory_space<hbm>>) dst(%dma_wait3A_167 : memref<128x128xf32, #tpu.memory_space<vmem>>)
    %scan3A_170 = arith.constant 0 : i32
    %scan3A_171 = arith.constant 128 : i32
    %scan3A_172 = arith.addi %scan3A_170, %scan3A_171 : i32
    %scan3A_173 = arith.constant 1 : i32
    %scan3A_174:8 = scf.for %scan3A_294 = %scan3A_170 to %scan3A_172 step %scan3A_173 iter_args(%scan3A_295 = %scan3A_140#0, %scan3A_296 = %scan3A_140#1, %scan3A_297 = %scan3A_140#2, %scan3A_298 = %scan3A_140#3, %scan3A_299 = %scan3A_140#4, %scan3A_300 = %scan3A_140#5, %scan3A_301 = %scan3A_140#6, %scan3A_302 = %scan3A_140#7) -> (vector<16xf32>, vector<16xf32>, vector<16xf32>, vector<16xf32>, vector<16xf32>, vector<16xf32>, vector<16xf32>, vector<16xf32>)  : i32 {
      %get3A = arith.constant 0 : i32
      %get3A_303 = arith.index_cast %get3A : i32 to index
      %get3A_304 = arith.index_cast %scan3A_294 : i32 to index
      %get3A_305 = arith.constant 0 : index
      %get3A_306 = tpu.vector_load %arg4[%get3A_303, %get3A_304, %get3A_305] {strides = array<i32>} : memref<2x128x128xf32, #tpu.memory_space<vmem>>, vector<1x1x16xf32>,
      %get3A_307 = vector.shape_cast %get3A_306 : vector<1x1x16xf32> to vector<16xf32>
      %exp3A = math.exp %get3A_307 : vector<16xf32>
      %get3A_308 = arith.constant 0 : i32
      %get3A_309 = arith.index_cast %get3A_308 : i32 to index
      %get3A_310 = arith.index_cast %scan3A_294 : i32 to index
      %get3A_311 = arith.constant 16 : index
      %get3A_312 = tpu.vector_load %arg4[%get3A_309, %get3A_310, %get3A_311] {strides = array<i32>} : memref<2x128x128xf32, #tpu.memory_space<vmem>>, vector<1x1x16xf32>,
      %get3A_313 = vector.shape_cast %get3A_312 : vector<1x1x16xf32> to vector<16xf32>
      %exp3A_314 = math.exp %get3A_313 : vector<16xf32>
      %get3A_315 = arith.constant 0 : i32
      %get3A_316 = arith.index_cast %get3A_315 : i32 to index
      %get3A_317 = arith.index_cast %scan3A_294 : i32 to index
      %get3A_318 = arith.constant 32 : index
      %get3A_319 = tpu.vector_load %arg4[%get3A_316, %get3A_317, %get3A_318] {strides = array<i32>} : memref<2x128x128xf32, #tpu.memory_space<vmem>>, vector<1x1x16xf32>,
      %get3A_320 = vector.shape_cast %get3A_319 : vector<1x1x16xf32> to vector<16xf32>
      %exp3A_321 = math.exp %get3A_320 : vector<16xf32>
      %get3A_322 = arith.constant 0 : i32
      %get3A_323 = arith.index_cast %get3A_322 : i32 to index
      %get3A_324 = arith.index_cast %scan3A_294 : i32 to index
      %get3A_325 = arith.constant 48 : index
      %get3A_326 = tpu.vector_load %arg4[%get3A_323, %get3A_324, %get3A_325] {strides = array<i32>} : memref<2x128x128xf32, #tpu.memory_space<vmem>>, vector<1x1x16xf32>,
      %get3A_327 = vector.shape_cast %get3A_326 : vector<1x1x16xf32> to vector<16xf32>
      %exp3A_328 = math.exp %get3A_327 : vector<16xf32>
      %get3A_329 = arith.constant 0 : i32
      %get3A_330 = arith.index_cast %get3A_329 : i32 to index
      %get3A_331 = arith.index_cast %scan3A_294 : i32 to index
      %get3A_332 = arith.constant 64 : index
      %get3A_333 = tpu.vector_load %arg4[%get3A_330, %get3A_331, %get3A_332] {strides = array<i32>} : memref<2x128x128xf32, #tpu.memory_space<vmem>>, vector<1x1x16xf32>,
      %get3A_334 = vector.shape_cast %get3A_333 : vector<1x1x16xf32> to vector<16xf32>
      %exp3A_335 = math.exp %get3A_334 : vector<16xf32>
      %get3A_336 = arith.constant 0 : i32
      %get3A_337 = arith.index_cast %get3A_336 : i32 to index
      %get3A_338 = arith.index_cast %scan3A_294 : i32 to index
      %get3A_339 = arith.constant 80 : index
      %get3A_340 = tpu.vector_load %arg4[%get3A_337, %get3A_338, %get3A_339] {strides = array<i32>} : memref<2x128x128xf32, #tpu.memory_space<vmem>>, vector<1x1x16xf32>,
      %get3A_341 = vector.shape_cast %get3A_340 : vector<1x1x16xf32> to vector<16xf32>
      %exp3A_342 = math.exp %get3A_341 : vector<16xf32>
      %get3A_343 = arith.constant 0 : i32
      %get3A_344 = arith.index_cast %get3A_343 : i32 to index
      %get3A_345 = arith.index_cast %scan3A_294 : i32 to index
      %get3A_346 = arith.constant 96 : index
      %get3A_347 = tpu.vector_load %arg4[%get3A_344, %get3A_345, %get3A_346] {strides = array<i32>} : memref<2x128x128xf32, #tpu.memory_space<vmem>>, vector<1x1x16xf32>,
      %get3A_348 = vector.shape_cast %get3A_347 : vector<1x1x16xf32> to vector<16xf32>
      %exp3A_349 = math.exp %get3A_348 : vector<16xf32>
      %get3A_350 = arith.constant 0 : i32
      %get3A_351 = arith.index_cast %get3A_350 : i32 to index
      %get3A_352 = arith.index_cast %scan3A_294 : i32 to index
      %get3A_353 = arith.constant 112 : index
      %get3A_354 = tpu.vector_load %arg4[%get3A_351, %get3A_352, %get3A_353] {strides = array<i32>} : memref<2x128x128xf32, #tpu.memory_space<vmem>>, vector<1x1x16xf32>,
      %get3A_355 = vector.shape_cast %get3A_354 : vector<1x1x16xf32> to vector<16xf32>
      %exp3A_356 = math.exp %get3A_355 : vector<16xf32>
      %add3A_357 = arith.addf %exp3A, %exp3A_314 : vector<16xf32>
      %add3A_358 = arith.addf %exp3A_321, %exp3A_328 : vector<16xf32>
      %add3A_359 = arith.addf %add3A_357, %add3A_358 : vector<16xf32>
      %add3A_360 = arith.addf %exp3A_335, %exp3A_342 : vector<16xf32>
      %add3A_361 = arith.addf %exp3A_349, %exp3A_356 : vector<16xf32>
      %add3A_362 = arith.addf %add3A_360, %add3A_361 : vector<16xf32>
      %add3A_363 = arith.addf %add3A_359, %add3A_362 : vector<16xf32>
      %broadcast_in_dim3A_364 = vector.shape_cast %xor3A_37 : vector<16xi32> to vector<16x1xi32>
      %gather3A = vector.shape_cast %broadcast_in_dim3A_364 : vector<16x1xi32> to vector<16xi32>
      %gather3A_365 = tpu.dynamic_gather %add3A_363[%gather3A] in [0] : vector<16xf32>, vector<16xi32> -> vector<16xf32>
      %add3A_366 = arith.addf %add3A_363, %gather3A_365 : vector<16xf32>
      %broadcast_in_dim3A_367 = vector.shape_cast %xor3A_40 : vector<16xi32> to vector<16x1xi32>
      %gather3A_368 = vector.shape_cast %broadcast_in_dim3A_367 : vector<16x1xi32> to vector<16xi32>
      %gather3A_369 = tpu.dynamic_gather %add3A_366[%gather3A_368] in [0] : vector<16xf32>, vector<16xi32> -> vector<16xf32>
      %add3A_370 = arith.addf %add3A_366, %gather3A_369 : vector<16xf32>
      %broadcast_in_dim3A_371 = vector.shape_cast %xor3A_43 : vector<16xi32> to vector<16x1xi32>
      %gather3A_372 = vector.shape_cast %broadcast_in_dim3A_371 : vector<16x1xi32> to vector<16xi32>
      %gather3A_373 = tpu.dynamic_gather %add3A_370[%gather3A_372] in [0] : vector<16xf32>, vector<16xi32> -> vector<16xf32>
      %add3A_374 = arith.addf %add3A_370, %gather3A_373 : vector<16xf32>
      %broadcast_in_dim3A_375 = vector.shape_cast %xor3A_46 : vector<16xi32> to vector<16x1xi32>
      %gather3A_376 = vector.shape_cast %broadcast_in_dim3A_375 : vector<16x1xi32> to vector<16xi32>
      %gather3A_377 = tpu.dynamic_gather %add3A_374[%gather3A_376] in [0] : vector<16xf32>, vector<16xi32> -> vector<16xf32>
      %add3A_378 = arith.addf %add3A_374, %gather3A_377 : vector<16xf32>
      %div3A_379 = arith.constant 1.000000e+00 : f32
      %div3A_380 = vector.broadcast %div3A_379 : f32 to vector<16xf32>
      %div3A_381 = arith.divf %div3A_380, %add3A_378 : vector<16xf32>
      %mul3A_382 = arith.mulf %exp3A, %div3A_381 : vector<16xf32>
      %add3A_383 = arith.addf %scan3A_295, %mul3A_382 : vector<16xf32>
      %mul3A_384 = arith.mulf %exp3A_314, %div3A_381 : vector<16xf32>
      %add3A_385 = arith.addf %scan3A_296, %mul3A_384 : vector<16xf32>
      %mul3A_386 = arith.mulf %exp3A_321, %div3A_381 : vector<16xf32>
      %add3A_387 = arith.addf %scan3A_297, %mul3A_386 : vector<16xf32>
      %mul3A_388 = arith.mulf %exp3A_328, %div3A_381 : vector<16xf32>
      %add3A_389 = arith.addf %scan3A_298, %mul3A_388 : vector<16xf32>
      %mul3A_390 = arith.mulf %exp3A_335, %div3A_381 : vector<16xf32>
      %add3A_391 = arith.addf %scan3A_299, %mul3A_390 : vector<16xf32>
      %mul3A_392 = arith.mulf %exp3A_342, %div3A_381 : vector<16xf32>
      %add3A_393 = arith.addf %scan3A_300, %mul3A_392 : vector<16xf32>
      %mul3A_394 = arith.mulf %exp3A_349, %div3A_381 : vector<16xf32>
      %add3A_395 = arith.addf %scan3A_301, %mul3A_394 : vector<16xf32>
      %mul3A_396 = arith.mulf %exp3A_356, %div3A_381 : vector<16xf32>
      %add3A_397 = arith.addf %scan3A_302, %mul3A_396 : vector<16xf32>
      scf.yield %add3A_383, %add3A_385, %add3A_387, %add3A_389, %add3A_391, %add3A_393, %add3A_395, %add3A_397 : vector<16xf32>, vector<16xf32>, vector<16xf32>, vector<16xf32>, vector<16xf32>, vector<16xf32>, vector<16xf32>, vector<16xf32>
    }
    %scan3A_175 = arith.constant 128 : i32
    %add3A_176 = arith.constant 512 : i32
    %add3A_177 = arith.addi %add3A_35, %add3A_176 : i32
    %dma_start3A_178 = arith.constant 0 : i32
    %dma_start3A_179 = arith.constant 0 : i32
    %dma_start3A_180 = arith.constant 0 : i32
    %dma_start3A_181 = tpu.memref_slice %arg4[%dma_start3A_178, %dma_start3A_179, %dma_start3A_180] : memref<2x128x128xf32, #tpu.memory_space<vmem>> -> memref<1x128x128xf32, #tpu.memory_space<vmem>>
    %dma_start3A_182 = tpu.memref_squeeze %dma_start3A_181 : memref<1x128x128xf32, #tpu.memory_space<vmem>> -> memref<128x128xf32, #tpu.memory_space<vmem>>
    %dma_start3A_183 = arith.constant 0 : i32
    %dma_start3A_184 = tpu.memref_slice %arg2[%add3A_177, %dma_start3A_183] : memref<65536x128xf32, #tpu.memory_space<hbm>> -> memref<128x128xf32, #tpu.memory_space<hbm>>
    %dma_start3A_185 = arith.constant 0 : i32
    %dma_start3A_186 = arith.constant 0 : i32
    %dma_start3A_187 = tpu.memref_slice %arg4[%dma_start3A_178, %dma_start3A_185, %dma_start3A_186] : memref<2x128x128xf32, #tpu.memory_space<vmem>> -> memref<1x128x128xf32, #tpu.memory_space<vmem>>
    %dma_start3A_188 = tpu.memref_squeeze %dma_start3A_187 : memref<1x128x128xf32, #tpu.memory_space<vmem>> -> memref<128x128xf32, #tpu.memory_space<vmem>>
    %dma_start3A_189 = arith.constant 0 : i32
    %dma_start3A_190 = tpu.memref_slice %arg2[%add3A_177, %dma_start3A_189] : memref<65536x128xf32, #tpu.memory_space<hbm>> -> memref<128x128xf32, #tpu.memory_space<hbm>>
    tpu.enqueue_dma source(%dma_start3A_190 : memref<128x128xf32, #tpu.memory_space<hbm>>) target(%dma_start3A_188 : memref<128x128xf32, #tpu.memory_space<vmem>>) target_semaphore(%arg6 : memref<!tpu.dma_semaphore, #tpu.memory_space<semaphore_mem>>)
    %dma_wait3A_191 = arith.constant 1 : i32
    %dma_wait3A_192 = arith.constant 0 : i32
    %dma_wait3A_193 = arith.constant 0 : i32
    %dma_wait3A_194 = tpu.memref_slice %arg4[%dma_wait3A_191, %dma_wait3A_192, %dma_wait3A_193] : memref<2x128x128xf32, #tpu.memory_space<vmem>> -> memref<1x128x128xf32, #tpu.memory_space<vmem>>
    %dma_wait3A_195 = tpu.memref_squeeze %dma_wait3A_194 : memref<1x128x128xf32, #tpu.memory_space<vmem>> -> memref<128x128xf32, #tpu.memory_space<vmem>>
    %dma_wait3A_196 = arith.constant 0 : i32
    %dma_wait3A_197 = tpu.memref_slice %arg2[%add3A_143, %dma_wait3A_196] : memref<65536x128xf32, #tpu.memory_space<hbm>> -> memref<128x128xf32, #tpu.memory_space<hbm>>
    %dma_wait3A_198 = arith.constant 0 : i32
    %dma_wait3A_199 = arith.constant 0 : i32
    %dma_wait3A_200 = tpu.memref_slice %arg4[%dma_wait3A_191, %dma_wait3A_198, %dma_wait3A_199] : memref<2x128x128xf32, #tpu.memory_space<vmem>> -> memref<1x128x128xf32, #tpu.memory_space<vmem>>
    %dma_wait3A_201 = tpu.memref_squeeze %dma_wait3A_200 : memref<1x128x128xf32, #tpu.memory_space<vmem>> -> memref<128x128xf32, #tpu.memory_space<vmem>>
    %dma_wait3A_202 = arith.constant 0 : i32
    %dma_wait3A_203 = tpu.memref_slice %arg2[%add3A_143, %dma_wait3A_202] : memref<65536x128xf32, #tpu.memory_space<hbm>> -> memref<128x128xf32, #tpu.memory_space<hbm>>
    tpu.wait_dma2 semaphore(%arg7 : memref<!tpu.dma_semaphore, #tpu.memory_space<semaphore_mem>>) src(%dma_wait3A_203 : memref<128x128xf32, #tpu.memory_space<hbm>>) dst(%dma_wait3A_201 : memref<128x128xf32, #tpu.memory_space<vmem>>)
    %scan3A_204 = arith.constant 0 : i32
    %scan3A_205 = arith.constant 128 : i32
    %scan3A_206 = arith.addi %scan3A_204, %scan3A_205 : i32
    %scan3A_207 = arith.constant 1 : i32
    %scan3A_208:8 = scf.for %scan3A_294 = %scan3A_204 to %scan3A_206 step %scan3A_207 iter_args(%scan3A_295 = %scan3A_174#0, %scan3A_296 = %scan3A_174#1, %scan3A_297 = %scan3A_174#2, %scan3A_298 = %scan3A_174#3, %scan3A_299 = %scan3A_174#4, %scan3A_300 = %scan3A_174#5, %scan3A_301 = %scan3A_174#6, %scan3A_302 = %scan3A_174#7) -> (vector<16xf32>, vector<16xf32>, vector<16xf32>, vector<16xf32>, vector<16xf32>, vector<16xf32>, vector<16xf32>, vector<16xf32>)  : i32 {
      %get3A = arith.constant 1 : i32
      %get3A_303 = arith.index_cast %get3A : i32 to index
      %get3A_304 = arith.index_cast %scan3A_294 : i32 to index
      %get3A_305 = arith.constant 0 : index
      %get3A_306 = tpu.vector_load %arg4[%get3A_303, %get3A_304, %get3A_305] {strides = array<i32>} : memref<2x128x128xf32, #tpu.memory_space<vmem>>, vector<1x1x16xf32>,
      %get3A_307 = vector.shape_cast %get3A_306 : vector<1x1x16xf32> to vector<16xf32>
      %exp3A = math.exp %get3A_307 : vector<16xf32>
      %get3A_308 = arith.constant 1 : i32
      %get3A_309 = arith.index_cast %get3A_308 : i32 to index
      %get3A_310 = arith.index_cast %scan3A_294 : i32 to index
      %get3A_311 = arith.constant 16 : index
      %get3A_312 = tpu.vector_load %arg4[%get3A_309, %get3A_310, %get3A_311] {strides = array<i32>} : memref<2x128x128xf32, #tpu.memory_space<vmem>>, vector<1x1x16xf32>,
      %get3A_313 = vector.shape_cast %get3A_312 : vector<1x1x16xf32> to vector<16xf32>
      %exp3A_314 = math.exp %get3A_313 : vector<16xf32>
      %get3A_315 = arith.constant 1 : i32
      %get3A_316 = arith.index_cast %get3A_315 : i32 to index
      %get3A_317 = arith.index_cast %scan3A_294 : i32 to index
      %get3A_318 = arith.constant 32 : index
      %get3A_319 = tpu.vector_load %arg4[%get3A_316, %get3A_317, %get3A_318] {strides = array<i32>} : memref<2x128x128xf32, #tpu.memory_space<vmem>>, vector<1x1x16xf32>,
      %get3A_320 = vector.shape_cast %get3A_319 : vector<1x1x16xf32> to vector<16xf32>
      %exp3A_321 = math.exp %get3A_320 : vector<16xf32>
      %get3A_322 = arith.constant 1 : i32
      %get3A_323 = arith.index_cast %get3A_322 : i32 to index
      %get3A_324 = arith.index_cast %scan3A_294 : i32 to index
      %get3A_325 = arith.constant 48 : index
      %get3A_326 = tpu.vector_load %arg4[%get3A_323, %get3A_324, %get3A_325] {strides = array<i32>} : memref<2x128x128xf32, #tpu.memory_space<vmem>>, vector<1x1x16xf32>,
      %get3A_327 = vector.shape_cast %get3A_326 : vector<1x1x16xf32> to vector<16xf32>
      %exp3A_328 = math.exp %get3A_327 : vector<16xf32>
      %get3A_329 = arith.constant 1 : i32
      %get3A_330 = arith.index_cast %get3A_329 : i32 to index
      %get3A_331 = arith.index_cast %scan3A_294 : i32 to index
      %get3A_332 = arith.constant 64 : index
      %get3A_333 = tpu.vector_load %arg4[%get3A_330, %get3A_331, %get3A_332] {strides = array<i32>} : memref<2x128x128xf32, #tpu.memory_space<vmem>>, vector<1x1x16xf32>,
      %get3A_334 = vector.shape_cast %get3A_333 : vector<1x1x16xf32> to vector<16xf32>
      %exp3A_335 = math.exp %get3A_334 : vector<16xf32>
      %get3A_336 = arith.constant 1 : i32
      %get3A_337 = arith.index_cast %get3A_336 : i32 to index
      %get3A_338 = arith.index_cast %scan3A_294 : i32 to index
      %get3A_339 = arith.constant 80 : index
      %get3A_340 = tpu.vector_load %arg4[%get3A_337, %get3A_338, %get3A_339] {strides = array<i32>} : memref<2x128x128xf32, #tpu.memory_space<vmem>>, vector<1x1x16xf32>,
      %get3A_341 = vector.shape_cast %get3A_340 : vector<1x1x16xf32> to vector<16xf32>
      %exp3A_342 = math.exp %get3A_341 : vector<16xf32>
      %get3A_343 = arith.constant 1 : i32
      %get3A_344 = arith.index_cast %get3A_343 : i32 to index
      %get3A_345 = arith.index_cast %scan3A_294 : i32 to index
      %get3A_346 = arith.constant 96 : index
      %get3A_347 = tpu.vector_load %arg4[%get3A_344, %get3A_345, %get3A_346] {strides = array<i32>} : memref<2x128x128xf32, #tpu.memory_space<vmem>>, vector<1x1x16xf32>,
      %get3A_348 = vector.shape_cast %get3A_347 : vector<1x1x16xf32> to vector<16xf32>
      %exp3A_349 = math.exp %get3A_348 : vector<16xf32>
      %get3A_350 = arith.constant 1 : i32
      %get3A_351 = arith.index_cast %get3A_350 : i32 to index
      %get3A_352 = arith.index_cast %scan3A_294 : i32 to index
      %get3A_353 = arith.constant 112 : index
      %get3A_354 = tpu.vector_load %arg4[%get3A_351, %get3A_352, %get3A_353] {strides = array<i32>} : memref<2x128x128xf32, #tpu.memory_space<vmem>>, vector<1x1x16xf32>,
      %get3A_355 = vector.shape_cast %get3A_354 : vector<1x1x16xf32> to vector<16xf32>
      %exp3A_356 = math.exp %get3A_355 : vector<16xf32>
      %add3A_357 = arith.addf %exp3A, %exp3A_314 : vector<16xf32>
      %add3A_358 = arith.addf %exp3A_321, %exp3A_328 : vector<16xf32>
      %add3A_359 = arith.addf %add3A_357, %add3A_358 : vector<16xf32>
      %add3A_360 = arith.addf %exp3A_335, %exp3A_342 : vector<16xf32>
      %add3A_361 = arith.addf %exp3A_349, %exp3A_356 : vector<16xf32>
      %add3A_362 = arith.addf %add3A_360, %add3A_361 : vector<16xf32>
      %add3A_363 = arith.addf %add3A_359, %add3A_362 : vector<16xf32>
      %broadcast_in_dim3A_364 = vector.shape_cast %xor3A_37 : vector<16xi32> to vector<16x1xi32>
      %gather3A = vector.shape_cast %broadcast_in_dim3A_364 : vector<16x1xi32> to vector<16xi32>
      %gather3A_365 = tpu.dynamic_gather %add3A_363[%gather3A] in [0] : vector<16xf32>, vector<16xi32> -> vector<16xf32>
      %add3A_366 = arith.addf %add3A_363, %gather3A_365 : vector<16xf32>
      %broadcast_in_dim3A_367 = vector.shape_cast %xor3A_40 : vector<16xi32> to vector<16x1xi32>
      %gather3A_368 = vector.shape_cast %broadcast_in_dim3A_367 : vector<16x1xi32> to vector<16xi32>
      %gather3A_369 = tpu.dynamic_gather %add3A_366[%gather3A_368] in [0] : vector<16xf32>, vector<16xi32> -> vector<16xf32>
      %add3A_370 = arith.addf %add3A_366, %gather3A_369 : vector<16xf32>
      %broadcast_in_dim3A_371 = vector.shape_cast %xor3A_43 : vector<16xi32> to vector<16x1xi32>
      %gather3A_372 = vector.shape_cast %broadcast_in_dim3A_371 : vector<16x1xi32> to vector<16xi32>
      %gather3A_373 = tpu.dynamic_gather %add3A_370[%gather3A_372] in [0] : vector<16xf32>, vector<16xi32> -> vector<16xf32>
      %add3A_374 = arith.addf %add3A_370, %gather3A_373 : vector<16xf32>
      %broadcast_in_dim3A_375 = vector.shape_cast %xor3A_46 : vector<16xi32> to vector<16x1xi32>
      %gather3A_376 = vector.shape_cast %broadcast_in_dim3A_375 : vector<16x1xi32> to vector<16xi32>
      %gather3A_377 = tpu.dynamic_gather %add3A_374[%gather3A_376] in [0] : vector<16xf32>, vector<16xi32> -> vector<16xf32>
      %add3A_378 = arith.addf %add3A_374, %gather3A_377 : vector<16xf32>
      %div3A_379 = arith.constant 1.000000e+00 : f32
      %div3A_380 = vector.broadcast %div3A_379 : f32 to vector<16xf32>
      %div3A_381 = arith.divf %div3A_380, %add3A_378 : vector<16xf32>
      %mul3A_382 = arith.mulf %exp3A, %div3A_381 : vector<16xf32>
      %add3A_383 = arith.addf %scan3A_295, %mul3A_382 : vector<16xf32>
      %mul3A_384 = arith.mulf %exp3A_314, %div3A_381 : vector<16xf32>
      %add3A_385 = arith.addf %scan3A_296, %mul3A_384 : vector<16xf32>
      %mul3A_386 = arith.mulf %exp3A_321, %div3A_381 : vector<16xf32>
      %add3A_387 = arith.addf %scan3A_297, %mul3A_386 : vector<16xf32>
      %mul3A_388 = arith.mulf %exp3A_328, %div3A_381 : vector<16xf32>
      %add3A_389 = arith.addf %scan3A_298, %mul3A_388 : vector<16xf32>
      %mul3A_390 = arith.mulf %exp3A_335, %div3A_381 : vector<16xf32>
      %add3A_391 = arith.addf %scan3A_299, %mul3A_390 : vector<16xf32>
      %mul3A_392 = arith.mulf %exp3A_342, %div3A_381 : vector<16xf32>
      %add3A_393 = arith.addf %scan3A_300, %mul3A_392 : vector<16xf32>
      %mul3A_394 = arith.mulf %exp3A_349, %div3A_381 : vector<16xf32>
      %add3A_395 = arith.addf %scan3A_301, %mul3A_394 : vector<16xf32>
      %mul3A_396 = arith.mulf %exp3A_356, %div3A_381 : vector<16xf32>
      %add3A_397 = arith.addf %scan3A_302, %mul3A_396 : vector<16xf32>
      scf.yield %add3A_383, %add3A_385, %add3A_387, %add3A_389, %add3A_391, %add3A_393, %add3A_395, %add3A_397 : vector<16xf32>, vector<16xf32>, vector<16xf32>, vector<16xf32>, vector<16xf32>, vector<16xf32>, vector<16xf32>, vector<16xf32>
    }
    %scan3A_209 = arith.constant 128 : i32
    %add3A_210 = arith.constant 640 : i32
    %add3A_211 = arith.addi %add3A_35, %add3A_210 : i32
    %dma_start3A_212 = arith.constant 1 : i32
    %dma_start3A_213 = arith.constant 0 : i32
    %dma_start3A_214 = arith.constant 0 : i32
    %dma_start3A_215 = tpu.memref_slice %arg4[%dma_start3A_212, %dma_start3A_213, %dma_start3A_214] : memref<2x128x128xf32, #tpu.memory_space<vmem>> -> memref<1x128x128xf32, #tpu.memory_space<vmem>>
    %dma_start3A_216 = tpu.memref_squeeze %dma_start3A_215 : memref<1x128x128xf32, #tpu.memory_space<vmem>> -> memref<128x128xf32, #tpu.memory_space<vmem>>
    %dma_start3A_217 = arith.constant 0 : i32
    %dma_start3A_218 = tpu.memref_slice %arg2[%add3A_211, %dma_start3A_217] : memref<65536x128xf32, #tpu.memory_space<hbm>> -> memref<128x128xf32, #tpu.memory_space<hbm>>
    %dma_start3A_219 = arith.constant 0 : i32
    %dma_start3A_220 = arith.constant 0 : i32
    %dma_start3A_221 = tpu.memref_slice %arg4[%dma_start3A_212, %dma_start3A_219, %dma_start3A_220] : memref<2x128x128xf32, #tpu.memory_space<vmem>> -> memref<1x128x128xf32, #tpu.memory_space<vmem>>
    %dma_start3A_222 = tpu.memref_squeeze %dma_start3A_221 : memref<1x128x128xf32, #tpu.memory_space<vmem>> -> memref<128x128xf32, #tpu.memory_space<vmem>>
    %dma_start3A_223 = arith.constant 0 : i32
    %dma_start3A_224 = tpu.memref_slice %arg2[%add3A_211, %dma_start3A_223] : memref<65536x128xf32, #tpu.memory_space<hbm>> -> memref<128x128xf32, #tpu.memory_space<hbm>>
    tpu.enqueue_dma source(%dma_start3A_224 : memref<128x128xf32, #tpu.memory_space<hbm>>) target(%dma_start3A_222 : memref<128x128xf32, #tpu.memory_space<vmem>>) target_semaphore(%arg7 : memref<!tpu.dma_semaphore, #tpu.memory_space<semaphore_mem>>)
    %dma_wait3A_225 = arith.constant 0 : i32
    %dma_wait3A_226 = arith.constant 0 : i32
    %dma_wait3A_227 = arith.constant 0 : i32
    %dma_wait3A_228 = tpu.memref_slice %arg4[%dma_wait3A_225, %dma_wait3A_226, %dma_wait3A_227] : memref<2x128x128xf32, #tpu.memory_space<vmem>> -> memref<1x128x128xf32, #tpu.memory_space<vmem>>
    %dma_wait3A_229 = tpu.memref_squeeze %dma_wait3A_228 : memref<1x128x128xf32, #tpu.memory_space<vmem>> -> memref<128x128xf32, #tpu.memory_space<vmem>>
    %dma_wait3A_230 = arith.constant 0 : i32
    %dma_wait3A_231 = tpu.memref_slice %arg2[%add3A_177, %dma_wait3A_230] : memref<65536x128xf32, #tpu.memory_space<hbm>> -> memref<128x128xf32, #tpu.memory_space<hbm>>
    %dma_wait3A_232 = arith.constant 0 : i32
    %dma_wait3A_233 = arith.constant 0 : i32
    %dma_wait3A_234 = tpu.memref_slice %arg4[%dma_wait3A_225, %dma_wait3A_232, %dma_wait3A_233] : memref<2x128x128xf32, #tpu.memory_space<vmem>> -> memref<1x128x128xf32, #tpu.memory_space<vmem>>
    %dma_wait3A_235 = tpu.memref_squeeze %dma_wait3A_234 : memref<1x128x128xf32, #tpu.memory_space<vmem>> -> memref<128x128xf32, #tpu.memory_space<vmem>>
    %dma_wait3A_236 = arith.constant 0 : i32
    %dma_wait3A_237 = tpu.memref_slice %arg2[%add3A_177, %dma_wait3A_236] : memref<65536x128xf32, #tpu.memory_space<hbm>> -> memref<128x128xf32, #tpu.memory_space<hbm>>
    tpu.wait_dma2 semaphore(%arg6 : memref<!tpu.dma_semaphore, #tpu.memory_space<semaphore_mem>>) src(%dma_wait3A_237 : memref<128x128xf32, #tpu.memory_space<hbm>>) dst(%dma_wait3A_235 : memref<128x128xf32, #tpu.memory_space<vmem>>)
    %scan3A_238 = arith.constant 0 : i32
    %scan3A_239 = arith.constant 128 : i32
    %scan3A_240 = arith.addi %scan3A_238, %scan3A_239 : i32
    %scan3A_241 = arith.constant 1 : i32
    %scan3A_242:8 = scf.for %scan3A_294 = %scan3A_238 to %scan3A_240 step %scan3A_241 iter_args(%scan3A_295 = %scan3A_208#0, %scan3A_296 = %scan3A_208#1, %scan3A_297 = %scan3A_208#2, %scan3A_298 = %scan3A_208#3, %scan3A_299 = %scan3A_208#4, %scan3A_300 = %scan3A_208#5, %scan3A_301 = %scan3A_208#6, %scan3A_302 = %scan3A_208#7) -> (vector<16xf32>, vector<16xf32>, vector<16xf32>, vector<16xf32>, vector<16xf32>, vector<16xf32>, vector<16xf32>, vector<16xf32>)  : i32 {
      %get3A = arith.constant 0 : i32
      %get3A_303 = arith.index_cast %get3A : i32 to index
      %get3A_304 = arith.index_cast %scan3A_294 : i32 to index
      %get3A_305 = arith.constant 0 : index
      %get3A_306 = tpu.vector_load %arg4[%get3A_303, %get3A_304, %get3A_305] {strides = array<i32>} : memref<2x128x128xf32, #tpu.memory_space<vmem>>, vector<1x1x16xf32>,
      %get3A_307 = vector.shape_cast %get3A_306 : vector<1x1x16xf32> to vector<16xf32>
      %exp3A = math.exp %get3A_307 : vector<16xf32>
      %get3A_308 = arith.constant 0 : i32
      %get3A_309 = arith.index_cast %get3A_308 : i32 to index
      %get3A_310 = arith.index_cast %scan3A_294 : i32 to index
      %get3A_311 = arith.constant 16 : index
      %get3A_312 = tpu.vector_load %arg4[%get3A_309, %get3A_310, %get3A_311] {strides = array<i32>} : memref<2x128x128xf32, #tpu.memory_space<vmem>>, vector<1x1x16xf32>,
      %get3A_313 = vector.shape_cast %get3A_312 : vector<1x1x16xf32> to vector<16xf32>
      %exp3A_314 = math.exp %get3A_313 : vector<16xf32>
      %get3A_315 = arith.constant 0 : i32
      %get3A_316 = arith.index_cast %get3A_315 : i32 to index
      %get3A_317 = arith.index_cast %scan3A_294 : i32 to index
      %get3A_318 = arith.constant 32 : index
      %get3A_319 = tpu.vector_load %arg4[%get3A_316, %get3A_317, %get3A_318] {strides = array<i32>} : memref<2x128x128xf32, #tpu.memory_space<vmem>>, vector<1x1x16xf32>,
      %get3A_320 = vector.shape_cast %get3A_319 : vector<1x1x16xf32> to vector<16xf32>
      %exp3A_321 = math.exp %get3A_320 : vector<16xf32>
      %get3A_322 = arith.constant 0 : i32
      %get3A_323 = arith.index_cast %get3A_322 : i32 to index
      %get3A_324 = arith.index_cast %scan3A_294 : i32 to index
      %get3A_325 = arith.constant 48 : index
      %get3A_326 = tpu.vector_load %arg4[%get3A_323, %get3A_324, %get3A_325] {strides = array<i32>} : memref<2x128x128xf32, #tpu.memory_space<vmem>>, vector<1x1x16xf32>,
      %get3A_327 = vector.shape_cast %get3A_326 : vector<1x1x16xf32> to vector<16xf32>
      %exp3A_328 = math.exp %get3A_327 : vector<16xf32>
      %get3A_329 = arith.constant 0 : i32
      %get3A_330 = arith.index_cast %get3A_329 : i32 to index
      %get3A_331 = arith.index_cast %scan3A_294 : i32 to index
      %get3A_332 = arith.constant 64 : index
      %get3A_333 = tpu.vector_load %arg4[%get3A_330, %get3A_331, %get3A_332] {strides = array<i32>} : memref<2x128x128xf32, #tpu.memory_space<vmem>>, vector<1x1x16xf32>,
      %get3A_334 = vector.shape_cast %get3A_333 : vector<1x1x16xf32> to vector<16xf32>
      %exp3A_335 = math.exp %get3A_334 : vector<16xf32>
      %get3A_336 = arith.constant 0 : i32
      %get3A_337 = arith.index_cast %get3A_336 : i32 to index
      %get3A_338 = arith.index_cast %scan3A_294 : i32 to index
      %get3A_339 = arith.constant 80 : index
      %get3A_340 = tpu.vector_load %arg4[%get3A_337, %get3A_338, %get3A_339] {strides = array<i32>} : memref<2x128x128xf32, #tpu.memory_space<vmem>>, vector<1x1x16xf32>,
      %get3A_341 = vector.shape_cast %get3A_340 : vector<1x1x16xf32> to vector<16xf32>
      %exp3A_342 = math.exp %get3A_341 : vector<16xf32>
      %get3A_343 = arith.constant 0 : i32
      %get3A_344 = arith.index_cast %get3A_343 : i32 to index
      %get3A_345 = arith.index_cast %scan3A_294 : i32 to index
      %get3A_346 = arith.constant 96 : index
      %get3A_347 = tpu.vector_load %arg4[%get3A_344, %get3A_345, %get3A_346] {strides = array<i32>} : memref<2x128x128xf32, #tpu.memory_space<vmem>>, vector<1x1x16xf32>,
      %get3A_348 = vector.shape_cast %get3A_347 : vector<1x1x16xf32> to vector<16xf32>
      %exp3A_349 = math.exp %get3A_348 : vector<16xf32>
      %get3A_350 = arith.constant 0 : i32
      %get3A_351 = arith.index_cast %get3A_350 : i32 to index
      %get3A_352 = arith.index_cast %scan3A_294 : i32 to index
      %get3A_353 = arith.constant 112 : index
      %get3A_354 = tpu.vector_load %arg4[%get3A_351, %get3A_352, %get3A_353] {strides = array<i32>} : memref<2x128x128xf32, #tpu.memory_space<vmem>>, vector<1x1x16xf32>,
      %get3A_355 = vector.shape_cast %get3A_354 : vector<1x1x16xf32> to vector<16xf32>
      %exp3A_356 = math.exp %get3A_355 : vector<16xf32>
      %add3A_357 = arith.addf %exp3A, %exp3A_314 : vector<16xf32>
      %add3A_358 = arith.addf %exp3A_321, %exp3A_328 : vector<16xf32>
      %add3A_359 = arith.addf %add3A_357, %add3A_358 : vector<16xf32>
      %add3A_360 = arith.addf %exp3A_335, %exp3A_342 : vector<16xf32>
      %add3A_361 = arith.addf %exp3A_349, %exp3A_356 : vector<16xf32>
      %add3A_362 = arith.addf %add3A_360, %add3A_361 : vector<16xf32>
      %add3A_363 = arith.addf %add3A_359, %add3A_362 : vector<16xf32>
      %broadcast_in_dim3A_364 = vector.shape_cast %xor3A_37 : vector<16xi32> to vector<16x1xi32>
      %gather3A = vector.shape_cast %broadcast_in_dim3A_364 : vector<16x1xi32> to vector<16xi32>
      %gather3A_365 = tpu.dynamic_gather %add3A_363[%gather3A] in [0] : vector<16xf32>, vector<16xi32> -> vector<16xf32>
      %add3A_366 = arith.addf %add3A_363, %gather3A_365 : vector<16xf32>
      %broadcast_in_dim3A_367 = vector.shape_cast %xor3A_40 : vector<16xi32> to vector<16x1xi32>
      %gather3A_368 = vector.shape_cast %broadcast_in_dim3A_367 : vector<16x1xi32> to vector<16xi32>
      %gather3A_369 = tpu.dynamic_gather %add3A_366[%gather3A_368] in [0] : vector<16xf32>, vector<16xi32> -> vector<16xf32>
      %add3A_370 = arith.addf %add3A_366, %gather3A_369 : vector<16xf32>
      %broadcast_in_dim3A_371 = vector.shape_cast %xor3A_43 : vector<16xi32> to vector<16x1xi32>
      %gather3A_372 = vector.shape_cast %broadcast_in_dim3A_371 : vector<16x1xi32> to vector<16xi32>
      %gather3A_373 = tpu.dynamic_gather %add3A_370[%gather3A_372] in [0] : vector<16xf32>, vector<16xi32> -> vector<16xf32>
      %add3A_374 = arith.addf %add3A_370, %gather3A_373 : vector<16xf32>
      %broadcast_in_dim3A_375 = vector.shape_cast %xor3A_46 : vector<16xi32> to vector<16x1xi32>
      %gather3A_376 = vector.shape_cast %broadcast_in_dim3A_375 : vector<16x1xi32> to vector<16xi32>
      %gather3A_377 = tpu.dynamic_gather %add3A_374[%gather3A_376] in [0] : vector<16xf32>, vector<16xi32> -> vector<16xf32>
      %add3A_378 = arith.addf %add3A_374, %gather3A_377 : vector<16xf32>
      %div3A_379 = arith.constant 1.000000e+00 : f32
      %div3A_380 = vector.broadcast %div3A_379 : f32 to vector<16xf32>
      %div3A_381 = arith.divf %div3A_380, %add3A_378 : vector<16xf32>
      %mul3A_382 = arith.mulf %exp3A, %div3A_381 : vector<16xf32>
      %add3A_383 = arith.addf %scan3A_295, %mul3A_382 : vector<16xf32>
      %mul3A_384 = arith.mulf %exp3A_314, %div3A_381 : vector<16xf32>
      %add3A_385 = arith.addf %scan3A_296, %mul3A_384 : vector<16xf32>
      %mul3A_386 = arith.mulf %exp3A_321, %div3A_381 : vector<16xf32>
      %add3A_387 = arith.addf %scan3A_297, %mul3A_386 : vector<16xf32>
      %mul3A_388 = arith.mulf %exp3A_328, %div3A_381 : vector<16xf32>
      %add3A_389 = arith.addf %scan3A_298, %mul3A_388 : vector<16xf32>
      %mul3A_390 = arith.mulf %exp3A_335, %div3A_381 : vector<16xf32>
      %add3A_391 = arith.addf %scan3A_299, %mul3A_390 : vector<16xf32>
      %mul3A_392 = arith.mulf %exp3A_342, %div3A_381 : vector<16xf32>
      %add3A_393 = arith.addf %scan3A_300, %mul3A_392 : vector<16xf32>
      %mul3A_394 = arith.mulf %exp3A_349, %div3A_381 : vector<16xf32>
      %add3A_395 = arith.addf %scan3A_301, %mul3A_394 : vector<16xf32>
      %mul3A_396 = arith.mulf %exp3A_356, %div3A_381 : vector<16xf32>
      %add3A_397 = arith.addf %scan3A_302, %mul3A_396 : vector<16xf32>
      scf.yield %add3A_383, %add3A_385, %add3A_387, %add3A_389, %add3A_391, %add3A_393, %add3A_395, %add3A_397 : vector<16xf32>, vector<16xf32>, vector<16xf32>, vector<16xf32>, vector<16xf32>, vector<16xf32>, vector<16xf32>, vector<16xf32>
    }
    %scan3A_243 = arith.constant 128 : i32
    %dma_wait3A_244 = arith.constant 1 : i32
    %dma_wait3A_245 = arith.constant 0 : i32
    %dma_wait3A_246 = arith.constant 0 : i32
    %dma_wait3A_247 = tpu.memref_slice %arg4[%dma_wait3A_244, %dma_wait3A_245, %dma_wait3A_246] : memref<2x128x128xf32, #tpu.memory_space<vmem>> -> memref<1x128x128xf32, #tpu.memory_space<vmem>>
    %dma_wait3A_248 = tpu.memref_squeeze %dma_wait3A_247 : memref<1x128x128xf32, #tpu.memory_space<vmem>> -> memref<128x128xf32, #tpu.memory_space<vmem>>
    %dma_wait3A_249 = arith.constant 0 : i32
    %dma_wait3A_250 = tpu.memref_slice %arg2[%add3A_211, %dma_wait3A_249] : memref<65536x128xf32, #tpu.memory_space<hbm>> -> memref<128x128xf32, #tpu.memory_space<hbm>>
    %dma_wait3A_251 = arith.constant 0 : i32
    %dma_wait3A_252 = arith.constant 0 : i32
    %dma_wait3A_253 = tpu.memref_slice %arg4[%dma_wait3A_244, %dma_wait3A_251, %dma_wait3A_252] : memref<2x128x128xf32, #tpu.memory_space<vmem>> -> memref<1x128x128xf32, #tpu.memory_space<vmem>>
    %dma_wait3A_254 = tpu.memref_squeeze %dma_wait3A_253 : memref<1x128x128xf32, #tpu.memory_space<vmem>> -> memref<128x128xf32, #tpu.memory_space<vmem>>
    %dma_wait3A_255 = arith.constant 0 : i32
    %dma_wait3A_256 = tpu.memref_slice %arg2[%add3A_211, %dma_wait3A_255] : memref<65536x128xf32, #tpu.memory_space<hbm>> -> memref<128x128xf32, #tpu.memory_space<hbm>>
    tpu.wait_dma2 semaphore(%arg7 : memref<!tpu.dma_semaphore, #tpu.memory_space<semaphore_mem>>) src(%dma_wait3A_256 : memref<128x128xf32, #tpu.memory_space<hbm>>) dst(%dma_wait3A_254 : memref<128x128xf32, #tpu.memory_space<vmem>>)
    %scan3A_257 = arith.constant 0 : i32
    %scan3A_258 = arith.constant 128 : i32
    %scan3A_259 = arith.addi %scan3A_257, %scan3A_258 : i32
    %scan3A_260 = arith.constant 1 : i32
    %scan3A_261:8 = scf.for %scan3A_294 = %scan3A_257 to %scan3A_259 step %scan3A_260 iter_args(%scan3A_295 = %scan3A_242#0, %scan3A_296 = %scan3A_242#1, %scan3A_297 = %scan3A_242#2, %scan3A_298 = %scan3A_242#3, %scan3A_299 = %scan3A_242#4, %scan3A_300 = %scan3A_242#5, %scan3A_301 = %scan3A_242#6, %scan3A_302 = %scan3A_242#7) -> (vector<16xf32>, vector<16xf32>, vector<16xf32>, vector<16xf32>, vector<16xf32>, vector<16xf32>, vector<16xf32>, vector<16xf32>)  : i32 {
      %get3A = arith.constant 1 : i32
      %get3A_303 = arith.index_cast %get3A : i32 to index
      %get3A_304 = arith.index_cast %scan3A_294 : i32 to index
      %get3A_305 = arith.constant 0 : index
      %get3A_306 = tpu.vector_load %arg4[%get3A_303, %get3A_304, %get3A_305] {strides = array<i32>} : memref<2x128x128xf32, #tpu.memory_space<vmem>>, vector<1x1x16xf32>,
      %get3A_307 = vector.shape_cast %get3A_306 : vector<1x1x16xf32> to vector<16xf32>
      %exp3A = math.exp %get3A_307 : vector<16xf32>
      %get3A_308 = arith.constant 1 : i32
      %get3A_309 = arith.index_cast %get3A_308 : i32 to index
      %get3A_310 = arith.index_cast %scan3A_294 : i32 to index
      %get3A_311 = arith.constant 16 : index
      %get3A_312 = tpu.vector_load %arg4[%get3A_309, %get3A_310, %get3A_311] {strides = array<i32>} : memref<2x128x128xf32, #tpu.memory_space<vmem>>, vector<1x1x16xf32>,
      %get3A_313 = vector.shape_cast %get3A_312 : vector<1x1x16xf32> to vector<16xf32>
      %exp3A_314 = math.exp %get3A_313 : vector<16xf32>
      %get3A_315 = arith.constant 1 : i32
      %get3A_316 = arith.index_cast %get3A_315 : i32 to index
      %get3A_317 = arith.index_cast %scan3A_294 : i32 to index
      %get3A_318 = arith.constant 32 : index
      %get3A_319 = tpu.vector_load %arg4[%get3A_316, %get3A_317, %get3A_318] {strides = array<i32>} : memref<2x128x128xf32, #tpu.memory_space<vmem>>, vector<1x1x16xf32>,
      %get3A_320 = vector.shape_cast %get3A_319 : vector<1x1x16xf32> to vector<16xf32>
      %exp3A_321 = math.exp %get3A_320 : vector<16xf32>
      %get3A_322 = arith.constant 1 : i32
      %get3A_323 = arith.index_cast %get3A_322 : i32 to index
      %get3A_324 = arith.index_cast %scan3A_294 : i32 to index
      %get3A_325 = arith.constant 48 : index
      %get3A_326 = tpu.vector_load %arg4[%get3A_323, %get3A_324, %get3A_325] {strides = array<i32>} : memref<2x128x128xf32, #tpu.memory_space<vmem>>, vector<1x1x16xf32>,
      %get3A_327 = vector.shape_cast %get3A_326 : vector<1x1x16xf32> to vector<16xf32>
      %exp3A_328 = math.exp %get3A_327 : vector<16xf32>
      %get3A_329 = arith.constant 1 : i32
      %get3A_330 = arith.index_cast %get3A_329 : i32 to index
      %get3A_331 = arith.index_cast %scan3A_294 : i32 to index
      %get3A_332 = arith.constant 64 : index
      %get3A_333 = tpu.vector_load %arg4[%get3A_330, %get3A_331, %get3A_332] {strides = array<i32>} : memref<2x128x128xf32, #tpu.memory_space<vmem>>, vector<1x1x16xf32>,
      %get3A_334 = vector.shape_cast %get3A_333 : vector<1x1x16xf32> to vector<16xf32>
      %exp3A_335 = math.exp %get3A_334 : vector<16xf32>
      %get3A_336 = arith.constant 1 : i32
      %get3A_337 = arith.index_cast %get3A_336 : i32 to index
      %get3A_338 = arith.index_cast %scan3A_294 : i32 to index
      %get3A_339 = arith.constant 80 : index
      %get3A_340 = tpu.vector_load %arg4[%get3A_337, %get3A_338, %get3A_339] {strides = array<i32>} : memref<2x128x128xf32, #tpu.memory_space<vmem>>, vector<1x1x16xf32>,
      %get3A_341 = vector.shape_cast %get3A_340 : vector<1x1x16xf32> to vector<16xf32>
      %exp3A_342 = math.exp %get3A_341 : vector<16xf32>
      %get3A_343 = arith.constant 1 : i32
      %get3A_344 = arith.index_cast %get3A_343 : i32 to index
      %get3A_345 = arith.index_cast %scan3A_294 : i32 to index
      %get3A_346 = arith.constant 96 : index
      %get3A_347 = tpu.vector_load %arg4[%get3A_344, %get3A_345, %get3A_346] {strides = array<i32>} : memref<2x128x128xf32, #tpu.memory_space<vmem>>, vector<1x1x16xf32>,
      %get3A_348 = vector.shape_cast %get3A_347 : vector<1x1x16xf32> to vector<16xf32>
      %exp3A_349 = math.exp %get3A_348 : vector<16xf32>
      %get3A_350 = arith.constant 1 : i32
      %get3A_351 = arith.index_cast %get3A_350 : i32 to index
      %get3A_352 = arith.index_cast %scan3A_294 : i32 to index
      %get3A_353 = arith.constant 112 : index
      %get3A_354 = tpu.vector_load %arg4[%get3A_351, %get3A_352, %get3A_353] {strides = array<i32>} : memref<2x128x128xf32, #tpu.memory_space<vmem>>, vector<1x1x16xf32>,
      %get3A_355 = vector.shape_cast %get3A_354 : vector<1x1x16xf32> to vector<16xf32>
      %exp3A_356 = math.exp %get3A_355 : vector<16xf32>
      %add3A_357 = arith.addf %exp3A, %exp3A_314 : vector<16xf32>
      %add3A_358 = arith.addf %exp3A_321, %exp3A_328 : vector<16xf32>
      %add3A_359 = arith.addf %add3A_357, %add3A_358 : vector<16xf32>
      %add3A_360 = arith.addf %exp3A_335, %exp3A_342 : vector<16xf32>
      %add3A_361 = arith.addf %exp3A_349, %exp3A_356 : vector<16xf32>
      %add3A_362 = arith.addf %add3A_360, %add3A_361 : vector<16xf32>
      %add3A_363 = arith.addf %add3A_359, %add3A_362 : vector<16xf32>
      %broadcast_in_dim3A_364 = vector.shape_cast %xor3A_37 : vector<16xi32> to vector<16x1xi32>
      %gather3A = vector.shape_cast %broadcast_in_dim3A_364 : vector<16x1xi32> to vector<16xi32>
      %gather3A_365 = tpu.dynamic_gather %add3A_363[%gather3A] in [0] : vector<16xf32>, vector<16xi32> -> vector<16xf32>
      %add3A_366 = arith.addf %add3A_363, %gather3A_365 : vector<16xf32>
      %broadcast_in_dim3A_367 = vector.shape_cast %xor3A_40 : vector<16xi32> to vector<16x1xi32>
      %gather3A_368 = vector.shape_cast %broadcast_in_dim3A_367 : vector<16x1xi32> to vector<16xi32>
      %gather3A_369 = tpu.dynamic_gather %add3A_366[%gather3A_368] in [0] : vector<16xf32>, vector<16xi32> -> vector<16xf32>
      %add3A_370 = arith.addf %add3A_366, %gather3A_369 : vector<16xf32>
      %broadcast_in_dim3A_371 = vector.shape_cast %xor3A_43 : vector<16xi32> to vector<16x1xi32>
      %gather3A_372 = vector.shape_cast %broadcast_in_dim3A_371 : vector<16x1xi32> to vector<16xi32>
      %gather3A_373 = tpu.dynamic_gather %add3A_370[%gather3A_372] in [0] : vector<16xf32>, vector<16xi32> -> vector<16xf32>
      %add3A_374 = arith.addf %add3A_370, %gather3A_373 : vector<16xf32>
      %broadcast_in_dim3A_375 = vector.shape_cast %xor3A_46 : vector<16xi32> to vector<16x1xi32>
      %gather3A_376 = vector.shape_cast %broadcast_in_dim3A_375 : vector<16x1xi32> to vector<16xi32>
      %gather3A_377 = tpu.dynamic_gather %add3A_374[%gather3A_376] in [0] : vector<16xf32>, vector<16xi32> -> vector<16xf32>
      %add3A_378 = arith.addf %add3A_374, %gather3A_377 : vector<16xf32>
      %div3A_379 = arith.constant 1.000000e+00 : f32
      %div3A_380 = vector.broadcast %div3A_379 : f32 to vector<16xf32>
      %div3A_381 = arith.divf %div3A_380, %add3A_378 : vector<16xf32>
      %mul3A_382 = arith.mulf %exp3A, %div3A_381 : vector<16xf32>
      %add3A_383 = arith.addf %scan3A_295, %mul3A_382 : vector<16xf32>
      %mul3A_384 = arith.mulf %exp3A_314, %div3A_381 : vector<16xf32>
      %add3A_385 = arith.addf %scan3A_296, %mul3A_384 : vector<16xf32>
      %mul3A_386 = arith.mulf %exp3A_321, %div3A_381 : vector<16xf32>
      %add3A_387 = arith.addf %scan3A_297, %mul3A_386 : vector<16xf32>
      %mul3A_388 = arith.mulf %exp3A_328, %div3A_381 : vector<16xf32>
      %add3A_389 = arith.addf %scan3A_298, %mul3A_388 : vector<16xf32>
      %mul3A_390 = arith.mulf %exp3A_335, %div3A_381 : vector<16xf32>
      %add3A_391 = arith.addf %scan3A_299, %mul3A_390 : vector<16xf32>
      %mul3A_392 = arith.mulf %exp3A_342, %div3A_381 : vector<16xf32>
      %add3A_393 = arith.addf %scan3A_300, %mul3A_392 : vector<16xf32>
      %mul3A_394 = arith.mulf %exp3A_349, %div3A_381 : vector<16xf32>
      %add3A_395 = arith.addf %scan3A_301, %mul3A_394 : vector<16xf32>
      %mul3A_396 = arith.mulf %exp3A_356, %div3A_381 : vector<16xf32>
      %add3A_397 = arith.addf %scan3A_302, %mul3A_396 : vector<16xf32>
      scf.yield %add3A_383, %add3A_385, %add3A_387, %add3A_389, %add3A_391, %add3A_393, %add3A_395, %add3A_397 : vector<16xf32>, vector<16xf32>, vector<16xf32>, vector<16xf32>, vector<16xf32>, vector<16xf32>, vector<16xf32>, vector<16xf32>
    }
    %scan3A_262 = arith.constant 128 : i32
    %swap3A = arith.constant 0 : index
    %swap3A_263 = tpu.vector_load %arg5[%swap3A] {strides = array<i32>} : memref<128xf32, #tpu.memory_space<vmem>>, vector<16xf32>,
    %swap3A_264 = vector.shape_cast %swap3A_263 : vector<16xf32> to vector<16xf32>
    %swap3A_265 = vector.shape_cast %scan3A_261#0 : vector<16xf32> to vector<16xf32>
    tpu.vector_store %arg5[%swap3A], %swap3A_265 {strides = array<i32>} : memref<128xf32, #tpu.memory_space<vmem>>, vector<16xf32>,
    %swap3A_266 = arith.constant 16 : index
    %swap3A_267 = tpu.vector_load %arg5[%swap3A_266] {strides = array<i32>} : memref<128xf32, #tpu.memory_space<vmem>>, vector<16xf32>,
    %swap3A_268 = vector.shape_cast %swap3A_267 : vector<16xf32> to vector<16xf32>
    %swap3A_269 = vector.shape_cast %scan3A_261#1 : vector<16xf32> to vector<16xf32>
    tpu.vector_store %arg5[%swap3A_266], %swap3A_269 {strides = array<i32>} : memref<128xf32, #tpu.memory_space<vmem>>, vector<16xf32>,
    %swap3A_270 = arith.constant 32 : index
    %swap3A_271 = tpu.vector_load %arg5[%swap3A_270] {strides = array<i32>} : memref<128xf32, #tpu.memory_space<vmem>>, vector<16xf32>,
    %swap3A_272 = vector.shape_cast %swap3A_271 : vector<16xf32> to vector<16xf32>
    %swap3A_273 = vector.shape_cast %scan3A_261#2 : vector<16xf32> to vector<16xf32>
    tpu.vector_store %arg5[%swap3A_270], %swap3A_273 {strides = array<i32>} : memref<128xf32, #tpu.memory_space<vmem>>, vector<16xf32>,
    %swap3A_274 = arith.constant 48 : index
    %swap3A_275 = tpu.vector_load %arg5[%swap3A_274] {strides = array<i32>} : memref<128xf32, #tpu.memory_space<vmem>>, vector<16xf32>,
    %swap3A_276 = vector.shape_cast %swap3A_275 : vector<16xf32> to vector<16xf32>
    %swap3A_277 = vector.shape_cast %scan3A_261#3 : vector<16xf32> to vector<16xf32>
    tpu.vector_store %arg5[%swap3A_274], %swap3A_277 {strides = array<i32>} : memref<128xf32, #tpu.memory_space<vmem>>, vector<16xf32>,
    %swap3A_278 = arith.constant 64 : index
    %swap3A_279 = tpu.vector_load %arg5[%swap3A_278] {strides = array<i32>} : memref<128xf32, #tpu.memory_space<vmem>>, vector<16xf32>,
    %swap3A_280 = vector.shape_cast %swap3A_279 : vector<16xf32> to vector<16xf32>
    %swap3A_281 = vector.shape_cast %scan3A_261#4 : vector<16xf32> to vector<16xf32>
    tpu.vector_store %arg5[%swap3A_278], %swap3A_281 {strides = array<i32>} : memref<128xf32, #tpu.memory_space<vmem>>, vector<16xf32>,
    %swap3A_282 = arith.constant 80 : index
    %swap3A_283 = tpu.vector_load %arg5[%swap3A_282] {strides = array<i32>} : memref<128xf32, #tpu.memory_space<vmem>>, vector<16xf32>,
    %swap3A_284 = vector.shape_cast %swap3A_283 : vector<16xf32> to vector<16xf32>
    %swap3A_285 = vector.shape_cast %scan3A_261#5 : vector<16xf32> to vector<16xf32>
    tpu.vector_store %arg5[%swap3A_282], %swap3A_285 {strides = array<i32>} : memref<128xf32, #tpu.memory_space<vmem>>, vector<16xf32>,
    %swap3A_286 = arith.constant 96 : index
    %swap3A_287 = tpu.vector_load %arg5[%swap3A_286] {strides = array<i32>} : memref<128xf32, #tpu.memory_space<vmem>>, vector<16xf32>,
    %swap3A_288 = vector.shape_cast %swap3A_287 : vector<16xf32> to vector<16xf32>
    %swap3A_289 = vector.shape_cast %scan3A_261#6 : vector<16xf32> to vector<16xf32>
    tpu.vector_store %arg5[%swap3A_286], %swap3A_289 {strides = array<i32>} : memref<128xf32, #tpu.memory_space<vmem>>, vector<16xf32>,
    %swap3A_290 = arith.constant 112 : index
    %swap3A_291 = tpu.vector_load %arg5[%swap3A_290] {strides = array<i32>} : memref<128xf32, #tpu.memory_space<vmem>>, vector<16xf32>,
    %swap3A_292 = vector.shape_cast %swap3A_291 : vector<16xf32> to vector<16xf32>
    %swap3A_293 = vector.shape_cast %scan3A_261#7 : vector<16xf32> to vector<16xf32>
    tpu.vector_store %arg5[%swap3A_290], %swap3A_293 {strides = array<i32>} : memref<128xf32, #tpu.memory_space<vmem>>, vector<16xf32>,
    "tpu.region"() ({
      %run_scoped3A = tpu.sem_alloc : memref<!tpu.dma_semaphore, #tpu.memory_space<semaphore_mem>>
      %dma_start3A_294 = arith.constant 0 : i32
      %dma_start3A_295 = tpu.memref_slice %arg3[%add3A, %dma_start3A_294] : memref<32x128xf32, #tpu.memory_space<hbm>> -> memref<1x128xf32, #tpu.memory_space<hbm>>
      %dma_start3A_296 = tpu.memref_squeeze %dma_start3A_295 : memref<1x128xf32, #tpu.memory_space<hbm>> -> memref<128xf32, #tpu.memory_space<hbm>>
      %dma_start3A_297 = arith.constant 0 : i32
      %dma_start3A_298 = tpu.memref_slice %arg3[%add3A, %dma_start3A_297] : memref<32x128xf32, #tpu.memory_space<hbm>> -> memref<1x128xf32, #tpu.memory_space<hbm>>
      %dma_start3A_299 = tpu.memref_squeeze %dma_start3A_298 : memref<1x128xf32, #tpu.memory_space<hbm>> -> memref<128xf32, #tpu.memory_space<hbm>>
      tpu.enqueue_dma source(%arg5 : memref<128xf32, #tpu.memory_space<vmem>>) target(%dma_start3A_299 : memref<128xf32, #tpu.memory_space<hbm>>) target_semaphore(%run_scoped3A : memref<!tpu.dma_semaphore, #tpu.memory_space<semaphore_mem>>)
      %dma_wait3A_300 = arith.constant 0 : i32
      %dma_wait3A_301 = tpu.memref_slice %arg3[%add3A, %dma_wait3A_300] : memref<32x128xf32, #tpu.memory_space<hbm>> -> memref<1x128xf32, #tpu.memory_space<hbm>>
      %dma_wait3A_302 = tpu.memref_squeeze %dma_wait3A_301 : memref<1x128xf32, #tpu.memory_space<hbm>> -> memref<128xf32, #tpu.memory_space<hbm>>
      %dma_wait3A_303 = arith.constant 0 : i32
      %dma_wait3A_304 = tpu.memref_slice %arg3[%add3A, %dma_wait3A_303] : memref<32x128xf32, #tpu.memory_space<hbm>> -> memref<1x128xf32, #tpu.memory_space<hbm>>
      %dma_wait3A_305 = tpu.memref_squeeze %dma_wait3A_304 : memref<1x128xf32, #tpu.memory_space<hbm>> -> memref<128xf32, #tpu.memory_space<hbm>>
      tpu.wait_dma2 semaphore(%run_scoped3A : memref<!tpu.dma_semaphore, #tpu.memory_space<semaphore_mem>>) src(%arg5 : memref<128xf32, #tpu.memory_space<vmem>>) dst(%dma_wait3A_305 : memref<128xf32, #tpu.memory_space<hbm>>)
      tpu.yield
    }) : () -> ()
    return
  }
}

module attributes {stable_mosaic.version = 14 : i64} {
  func.func @body(%arg0: i32, %arg1: i32, %arg2: memref<1024x128xf32, #tpu.memory_space<vmem>>, %arg3: memref<1024x128xf32, #tpu.memory_space<vmem>>, %arg4: memref<1x1x128xf32, #tpu.memory_space<vmem>>) attributes {dimension_semantics = [#tpu.dimension_semantics<parallel>, #tpu.dimension_semantics<parallel>], iteration_bounds = array<i64: 4, 5>, scalar_prefetch = 0 : i64, scratch_operands = 0 : i64, tpu.core_type = #tpu.core_type<tc>, window_params = [{transform_indices = @transform_0, window_bounds = array<i64: 1024, 128>}, {transform_indices = @transform_1, window_bounds = array<i64: 1024, 128>}, {transform_indices = @transform_2, window_bounds = array<i64: 1, 1, 128>}]} {
    %broadcast_in_dim3A = arith.constant 0.000000e+00 : f32
    %broadcast_in_dim3A_0 = vector.broadcast %broadcast_in_dim3A : f32 to vector<1x128xf32>
    %get3A = arith.constant 0 : index
    %get3A_1 = arith.constant 0 : index
    %get3A_2 = vector.load %arg2[%get3A, %get3A_1] : memref<1024x128xf32, #tpu.memory_space<vmem>>, vector<1024x128xf32>
    %exp3A = math.exp %get3A_2 : vector<1024x128xf32>
    %reduce_sum3A = arith.constant dense<0.000000e+00> : vector<1024xf32>
    %reduce_sum3A_3 = vector.multi_reduction <add>, %exp3A, %reduce_sum3A [1] : vector<1024x128xf32> to vector<1024xf32>
    %broadcast_in_dim3A_4 = vector.shape_cast %reduce_sum3A_3 : vector<1024xf32> to vector<1024x1xf32>
    %div3A = arith.constant 1.000000e+00 : f32
    %div3A_5 = vector.broadcast %div3A : f32 to vector<1024x1xf32>
    %div3A_6 = arith.divf %div3A_5, %broadcast_in_dim3A_4 : vector<1024x1xf32>
    %mul3A = vector.broadcast %div3A_6 : vector<1024x1xf32> to vector<1024x128xf32>
    %mul3A_7 = arith.mulf %exp3A, %mul3A : vector<1024x128xf32>
    %reduce_sum3A_8 = arith.constant dense<0.000000e+00> : vector<128xf32>
    %reduce_sum3A_9 = vector.multi_reduction <add>, %mul3A_7, %reduce_sum3A_8 [0] : vector<1024x128xf32> to vector<128xf32>
    %broadcast_in_dim3A_10 = vector.shape_cast %reduce_sum3A_9 : vector<128xf32> to vector<1x128xf32>
    %add3A = arith.addf %broadcast_in_dim3A_0, %broadcast_in_dim3A_10 : vector<1x128xf32>
    %get3A_11 = arith.constant 0 : index
    %get3A_12 = arith.constant 0 : index
    %get3A_13 = vector.load %arg3[%get3A_11, %get3A_12] : memref<1024x128xf32, #tpu.memory_space<vmem>>, vector<1024x128xf32>
    %exp3A_14 = math.exp %get3A_13 : vector<1024x128xf32>
    %reduce_sum3A_15 = arith.constant dense<0.000000e+00> : vector<1024xf32>
    %reduce_sum3A_16 = vector.multi_reduction <add>, %exp3A_14, %reduce_sum3A_15 [1] : vector<1024x128xf32> to vector<1024xf32>
    %broadcast_in_dim3A_17 = vector.shape_cast %reduce_sum3A_16 : vector<1024xf32> to vector<1024x1xf32>
    %div3A_18 = arith.constant 1.000000e+00 : f32
    %div3A_19 = vector.broadcast %div3A_18 : f32 to vector<1024x1xf32>
    %div3A_20 = arith.divf %div3A_19, %broadcast_in_dim3A_17 : vector<1024x1xf32>
    %mul3A_21 = vector.broadcast %div3A_20 : vector<1024x1xf32> to vector<1024x128xf32>
    %mul3A_22 = arith.mulf %exp3A_14, %mul3A_21 : vector<1024x128xf32>
    %reduce_sum3A_23 = arith.constant dense<0.000000e+00> : vector<128xf32>
    %reduce_sum3A_24 = vector.multi_reduction <add>, %mul3A_22, %reduce_sum3A_23 [0] : vector<1024x128xf32> to vector<128xf32>
    %broadcast_in_dim3A_25 = vector.shape_cast %reduce_sum3A_24 : vector<128xf32> to vector<1x128xf32>
    %add3A_26 = arith.addf %add3A, %broadcast_in_dim3A_25 : vector<1x128xf32>
    %broadcast_in_dim3A_27 = vector.shape_cast %add3A_26 : vector<1x128xf32> to vector<1x1x128xf32>
    %swap3A = arith.constant 0 : index
    %swap3A_28 = arith.constant 0 : index
    %swap3A_29 = arith.constant 0 : index
    %swap3A_30 = vector.load %arg4[%swap3A, %swap3A_28, %swap3A_29] : memref<1x1x128xf32, #tpu.memory_space<vmem>>, vector<1x1x128xf32>
    tpu.vector_store %arg4[%swap3A, %swap3A_28, %swap3A_29], %broadcast_in_dim3A_27 {strides = array<i32>} : memref<1x1x128xf32, #tpu.memory_space<vmem>>, vector<1x1x128xf32>,
    return
  }
  func.func @transform_0(%arg0: i32, %arg1: i32) -> (i32, i32) {
    %mul3A = arith.constant 16 : i32
    %mul3A_0 = arith.muli %arg0, %mul3A : i32
    %add3A = arith.constant 3 : i32
    %add3A_1 = arith.addi %add3A, %arg1 : i32
    %mul3A_2 = arith.constant 2 : i32
    %mul3A_3 = arith.muli %mul3A_2, %add3A_1 : i32
    %add3A_4 = arith.addi %mul3A_0, %mul3A_3 : i32
    %c0_i32 = arith.constant 0 : i32
    %c0_i32_5 = arith.constant 0 : i32
    return %add3A_4, %c0_i32 : i32, i32
  }
  func.func @transform_1(%arg0: i32, %arg1: i32) -> (i32, i32) {
    %mul3A = arith.constant 16 : i32
    %mul3A_0 = arith.muli %arg0, %mul3A : i32
    %add3A = arith.constant 3 : i32
    %add3A_1 = arith.addi %add3A, %arg1 : i32
    %mul3A_2 = arith.constant 2 : i32
    %mul3A_3 = arith.muli %mul3A_2, %add3A_1 : i32
    %add3A_4 = arith.addi %mul3A_0, %mul3A_3 : i32
    %add3A_5 = arith.constant 1 : i32
    %add3A_6 = arith.addi %add3A_4, %add3A_5 : i32
    %c0_i32 = arith.constant 0 : i32
    %c0_i32_7 = arith.constant 0 : i32
    return %add3A_6, %c0_i32 : i32, i32
  }
  func.func @transform_2(%arg0: i32, %arg1: i32) -> (i32, i32, i32) {
    %mul3A = arith.constant 5 : i32
    %mul3A_0 = arith.muli %arg0, %mul3A : i32
    %add3A = arith.addi %mul3A_0, %arg1 : i32
    %c0_i32 = arith.constant 0 : i32
    %c0_i32_1 = arith.constant 0 : i32
    %c0_i32_2 = arith.constant 0 : i32
    return %add3A, %c0_i32, %c0_i32_1 : i32, i32, i32
  }
}

module attributes {stable_mosaic.version = 14 : i64} {
  func.func @body(%arg0: memref<32x128xf32, #tpu.memory_space<vmem>>, %arg1: memref<20x128xf32, #tpu.memory_space<vmem>>, %arg2: memref<4x16xf32, #tpu.memory_space<vmem>>, %arg3: memref<1x1xf32, #tpu.memory_space<vmem>>) attributes {dimension_semantics = [], scalar_prefetch = 0 : i64, scratch_operands = 0 : i64, tpu.core_type = #tpu.core_type<tc>} {
    %get3A = arith.constant 0 : index
    %get3A_0 = arith.constant 0 : index
    %get3A_1 = vector.load %arg0[%get3A, %get3A_0] : memref<32x128xf32, #tpu.memory_space<vmem>>, vector<32x128xf32>
    %get3A_2 = arith.constant 0 : index
    %get3A_3 = arith.constant 0 : index
    %get3A_4 = vector.load %arg1[%get3A_2, %get3A_3] : memref<20x128xf32, #tpu.memory_space<vmem>>, vector<20x128xf32>
    %iota3A = tpu.iota {dimensions = array<i32: 1>} : vector<4x32xi32>
    %jit3A = arith.constant 8 : i32
    %div3A = vector.broadcast %jit3A : i32 to vector<4x32xi32>
    %div3A_5 = arith.divsi %iota3A, %div3A : vector<4x32xi32>
    %sign3A = arith.constant 0 : i32
    %sign3A_6 = vector.broadcast %sign3A : i32 to vector<4x32xi32>
    %sign3A_7 = arith.cmpi sgt, %iota3A, %sign3A_6 : vector<4x32xi32>
    %sign3A_8 = arith.extui %sign3A_7 : vector<4x32xi1> to vector<4x32xi32>
    %sign3A_9 = arith.constant 0 : i32
    %sign3A_10 = vector.broadcast %sign3A_9 : i32 to vector<4x32xi32>
    %sign3A_11 = arith.cmpi slt, %iota3A, %sign3A_10 : vector<4x32xi32>
    %sign3A_12 = arith.extui %sign3A_11 : vector<4x32xi1> to vector<4x32xi32>
    %sign3A_13 = arith.subi %sign3A_8, %sign3A_12 : vector<4x32xi32>
    %sign3A_14 = arith.constant 0 : i32
    %sign3A_15 = arith.cmpi sgt, %jit3A, %sign3A_14 : i32
    %sign3A_16 = arith.extui %sign3A_15 : i1 to i32
    %sign3A_17 = arith.constant 0 : i32
    %sign3A_18 = arith.cmpi slt, %jit3A, %sign3A_17 : i32
    %sign3A_19 = arith.extui %sign3A_18 : i1 to i32
    %sign3A_20 = arith.subi %sign3A_16, %sign3A_19 : i32
    %ne3A = vector.broadcast %sign3A_20 : i32 to vector<4x32xi32>
    %ne3A_21 = arith.cmpi ne, %sign3A_13, %ne3A : vector<4x32xi32>
    %rem3A = vector.broadcast %jit3A : i32 to vector<4x32xi32>
    %rem3A_22 = arith.remsi %iota3A, %rem3A : vector<4x32xi32>
    %ne3A_23 = arith.constant 0 : i32
    %ne3A_24 = vector.broadcast %ne3A_23 : i32 to vector<4x32xi32>
    %ne3A_25 = arith.cmpi ne, %rem3A_22, %ne3A_24 : vector<4x32xi32>
    %and3A = arith.andi %ne3A_21, %ne3A_25 : vector<4x32xi1>
    %sub3A = arith.constant 1 : i32
    %sub3A_26 = vector.broadcast %sub3A : i32 to vector<4x32xi32>
    %sub3A_27 = arith.subi %div3A_5, %sub3A_26 : vector<4x32xi32>
    %select_n3A = arith.select %and3A, %sub3A_27, %div3A_5 : vector<4x32xi1>, vector<4x32xi32>
    %iota3A_28 = tpu.iota {dimensions = array<i32: 0>} : vector<4x32xi32>
    %eq3A = arith.cmpi eq, %select_n3A, %iota3A_28 : vector<4x32xi32>
    %convert_element_type3A = arith.extui %eq3A : vector<4x32xi1> to vector<4x32xi32>
    %convert_element_type3A_29 = arith.sitofp %convert_element_type3A : vector<4x32xi32> to vector<4x32xf32>
    %iota3A_30 = tpu.iota {dimensions = array<i32: 1>} : vector<4x20xi32>
    %jit3A_31 = arith.constant 5 : i32
    %div3A_32 = vector.broadcast %jit3A_31 : i32 to vector<4x20xi32>
    %div3A_33 = arith.divsi %iota3A_30, %div3A_32 : vector<4x20xi32>
    %sign3A_34 = arith.constant 0 : i32
    %sign3A_35 = vector.broadcast %sign3A_34 : i32 to vector<4x20xi32>
    %sign3A_36 = arith.cmpi sgt, %iota3A_30, %sign3A_35 : vector<4x20xi32>
    %sign3A_37 = arith.extui %sign3A_36 : vector<4x20xi1> to vector<4x20xi32>
    %sign3A_38 = arith.constant 0 : i32
    %sign3A_39 = vector.broadcast %sign3A_38 : i32 to vector<4x20xi32>
    %sign3A_40 = arith.cmpi slt, %iota3A_30, %sign3A_39 : vector<4x20xi32>
    %sign3A_41 = arith.extui %sign3A_40 : vector<4x20xi1> to vector<4x20xi32>
    %sign3A_42 = arith.subi %sign3A_37, %sign3A_41 : vector<4x20xi32>
    %sign3A_43 = arith.constant 0 : i32
    %sign3A_44 = arith.cmpi sgt, %jit3A_31, %sign3A_43 : i32
    %sign3A_45 = arith.extui %sign3A_44 : i1 to i32
    %sign3A_46 = arith.constant 0 : i32
    %sign3A_47 = arith.cmpi slt, %jit3A_31, %sign3A_46 : i32
    %sign3A_48 = arith.extui %sign3A_47 : i1 to i32
    %sign3A_49 = arith.subi %sign3A_45, %sign3A_48 : i32
    %ne3A_50 = vector.broadcast %sign3A_49 : i32 to vector<4x20xi32>
    %ne3A_51 = arith.cmpi ne, %sign3A_42, %ne3A_50 : vector<4x20xi32>
    %rem3A_52 = vector.broadcast %jit3A_31 : i32 to vector<4x20xi32>
    %rem3A_53 = arith.remsi %iota3A_30, %rem3A_52 : vector<4x20xi32>
    %ne3A_54 = arith.constant 0 : i32
    %ne3A_55 = vector.broadcast %ne3A_54 : i32 to vector<4x20xi32>
    %ne3A_56 = arith.cmpi ne, %rem3A_53, %ne3A_55 : vector<4x20xi32>
    %and3A_57 = arith.andi %ne3A_51, %ne3A_56 : vector<4x20xi1>
    %sub3A_58 = arith.constant 1 : i32
    %sub3A_59 = vector.broadcast %sub3A_58 : i32 to vector<4x20xi32>
    %sub3A_60 = arith.subi %div3A_33, %sub3A_59 : vector<4x20xi32>
    %select_n3A_61 = arith.select %and3A_57, %sub3A_60, %div3A_33 : vector<4x20xi1>, vector<4x20xi32>
    %iota3A_62 = tpu.iota {dimensions = array<i32: 0>} : vector<4x20xi32>
    %eq3A_63 = arith.cmpi eq, %select_n3A_61, %iota3A_62 : vector<4x20xi32>
    %convert_element_type3A_64 = arith.extui %eq3A_63 : vector<4x20xi1> to vector<4x20xi32>
    %convert_element_type3A_65 = arith.sitofp %convert_element_type3A_64 : vector<4x20xi32> to vector<4x20xf32>
    %dot_general3A = arith.constant dense<0.000000e+00> : vector<4x128xf32>
    %dot_general3A_66 = tpu.matmul %convert_element_type3A_29, %get3A_1, %dot_general3A {dimension_numbers = #tpu.dot_dimension_numbers<[1], [0], [0], [1], [0, 0, 1, 1], [], []>, transpose_lhs_hint = false} : vector<4x32xf32>, vector<32x128xf32>, vector<4x128xf32> -> vector<4x128xf32>
    %dot_general3A_67 = arith.constant dense<0.000000e+00> : vector<4x128xf32>
    %dot_general3A_68 = tpu.matmul %convert_element_type3A_65, %get3A_4, %dot_general3A_67 {dimension_numbers = #tpu.dot_dimension_numbers<[1], [0], [0], [1], [0, 0, 1, 1], [], []>, transpose_lhs_hint = false} : vector<4x20xf32>, vector<20x128xf32>, vector<4x128xf32> -> vector<4x128xf32>
    %add3A = arith.addf %dot_general3A_66, %dot_general3A_68 : vector<4x128xf32>
    %iota3A_69 = tpu.iota {dimensions = array<i32: 0>} : vector<128x16xi32>
    %jit3A_70 = arith.constant 8 : i32
    %div3A_71 = vector.broadcast %jit3A_70 : i32 to vector<128x16xi32>
    %div3A_72 = arith.divsi %iota3A_69, %div3A_71 : vector<128x16xi32>
    %sign3A_73 = arith.constant 0 : i32
    %sign3A_74 = vector.broadcast %sign3A_73 : i32 to vector<128x16xi32>
    %sign3A_75 = arith.cmpi sgt, %iota3A_69, %sign3A_74 : vector<128x16xi32>
    %sign3A_76 = arith.extui %sign3A_75 : vector<128x16xi1> to vector<128x16xi32>
    %sign3A_77 = arith.constant 0 : i32
    %sign3A_78 = vector.broadcast %sign3A_77 : i32 to vector<128x16xi32>
    %sign3A_79 = arith.cmpi slt, %iota3A_69, %sign3A_78 : vector<128x16xi32>
    %sign3A_80 = arith.extui %sign3A_79 : vector<128x16xi1> to vector<128x16xi32>
    %sign3A_81 = arith.subi %sign3A_76, %sign3A_80 : vector<128x16xi32>
    %sign3A_82 = arith.constant 0 : i32
    %sign3A_83 = arith.cmpi sgt, %jit3A_70, %sign3A_82 : i32
    %sign3A_84 = arith.extui %sign3A_83 : i1 to i32
    %sign3A_85 = arith.constant 0 : i32
    %sign3A_86 = arith.cmpi slt, %jit3A_70, %sign3A_85 : i32
    %sign3A_87 = arith.extui %sign3A_86 : i1 to i32
    %sign3A_88 = arith.subi %sign3A_84, %sign3A_87 : i32
    %ne3A_89 = vector.broadcast %sign3A_88 : i32 to vector<128x16xi32>
    %ne3A_90 = arith.cmpi ne, %sign3A_81, %ne3A_89 : vector<128x16xi32>
    %rem3A_91 = vector.broadcast %jit3A_70 : i32 to vector<128x16xi32>
    %rem3A_92 = arith.remsi %iota3A_69, %rem3A_91 : vector<128x16xi32>
    %ne3A_93 = arith.constant 0 : i32
    %ne3A_94 = vector.broadcast %ne3A_93 : i32 to vector<128x16xi32>
    %ne3A_95 = arith.cmpi ne, %rem3A_92, %ne3A_94 : vector<128x16xi32>
    %and3A_96 = arith.andi %ne3A_90, %ne3A_95 : vector<128x16xi1>
    %sub3A_97 = arith.constant 1 : i32
    %sub3A_98 = vector.broadcast %sub3A_97 : i32 to vector<128x16xi32>
    %sub3A_99 = arith.subi %div3A_72, %sub3A_98 : vector<128x16xi32>
    %select_n3A_100 = arith.select %and3A_96, %sub3A_99, %div3A_72 : vector<128x16xi1>, vector<128x16xi32>
    %iota3A_101 = tpu.iota {dimensions = array<i32: 1>} : vector<128x16xi32>
    %eq3A_102 = arith.cmpi eq, %select_n3A_100, %iota3A_101 : vector<128x16xi32>
    %convert_element_type3A_103 = arith.extui %eq3A_102 : vector<128x16xi1> to vector<128x16xi32>
    %convert_element_type3A_104 = arith.sitofp %convert_element_type3A_103 : vector<128x16xi32> to vector<128x16xf32>
    %dot_general3A_105 = arith.constant dense<0.000000e+00> : vector<4x16xf32>
    %dot_general3A_106 = tpu.matmul %add3A, %convert_element_type3A_104, %dot_general3A_105 {dimension_numbers = #tpu.dot_dimension_numbers<[1], [0], [0], [1], [0, 0, 1, 1], [], []>, transpose_lhs_hint = false} : vector<4x128xf32>, vector<128x16xf32>, vector<4x16xf32> -> vector<4x16xf32>
    %div3A_107 = arith.constant 1.638400e+04 : f32
    %div3A_108 = vector.broadcast %div3A_107 : f32 to vector<4x16xf32>
    %div3A_109 = arith.divf %dot_general3A_106, %div3A_108 : vector<4x16xf32>
    %reduce_max3A = arith.constant dense<0xFF800000> : vector<4xf32>
    %reduce_max3A_110 = vector.multi_reduction <maximumf>, %div3A_109, %reduce_max3A [1] : vector<4x16xf32> to vector<4xf32>
    %max3A = arith.constant 0xFF800000 : f32
    %max3A_111 = vector.broadcast %max3A : f32 to vector<4xf32>
    %max3A_112 = arith.maximumf %max3A_111, %reduce_max3A_110 : vector<4xf32>
    %broadcast_in_dim3A = vector.shape_cast %max3A_112 : vector<4xf32> to vector<4x1xf32>
    %sub3A_113 = vector.broadcast %broadcast_in_dim3A : vector<4x1xf32> to vector<4x16xf32>
    %sub3A_114 = arith.subf %div3A_109, %sub3A_113 : vector<4x16xf32>
    %exp3A = math.exp %sub3A_114 : vector<4x16xf32>
    %reduce_sum3A = arith.constant dense<0.000000e+00> : vector<4xf32>
    %reduce_sum3A_115 = vector.multi_reduction <add>, %exp3A, %reduce_sum3A [1] : vector<4x16xf32> to vector<4xf32>
    %broadcast_in_dim3A_116 = vector.shape_cast %reduce_sum3A_115 : vector<4xf32> to vector<4x1xf32>
    %div3A_117 = vector.broadcast %broadcast_in_dim3A_116 : vector<4x1xf32> to vector<4x16xf32>
    %div3A_118 = arith.divf %exp3A, %div3A_117 : vector<4x16xf32>
    %get3A_119 = arith.constant 0 : index
    %get3A_120 = arith.constant 0 : index
    %get3A_121 = vector.load %arg2[%get3A_119, %get3A_120] : memref<4x16xf32, #tpu.memory_space<vmem>>, vector<4x16xf32>
    %div3A_122 = arith.constant 1.000000e+02 : f32
    %div3A_123 = vector.broadcast %div3A_122 : f32 to vector<4x16xf32>
    %div3A_124 = arith.divf %get3A_121, %div3A_123 : vector<4x16xf32>
    %reduce_max3A_125 = arith.constant dense<0xFF800000> : vector<4xf32>
    %reduce_max3A_126 = vector.multi_reduction <maximumf>, %div3A_124, %reduce_max3A_125 [1] : vector<4x16xf32> to vector<4xf32>
    %max3A_127 = arith.constant 0xFF800000 : f32
    %max3A_128 = vector.broadcast %max3A_127 : f32 to vector<4xf32>
    %max3A_129 = arith.maximumf %max3A_128, %reduce_max3A_126 : vector<4xf32>
    %broadcast_in_dim3A_130 = vector.shape_cast %max3A_129 : vector<4xf32> to vector<4x1xf32>
    %sub3A_131 = vector.broadcast %broadcast_in_dim3A_130 : vector<4x1xf32> to vector<4x16xf32>
    %sub3A_132 = arith.subf %div3A_124, %sub3A_131 : vector<4x16xf32>
    %exp3A_133 = math.exp %sub3A_132 : vector<4x16xf32>
    %reduce_sum3A_134 = arith.constant dense<0.000000e+00> : vector<4xf32>
    %reduce_sum3A_135 = vector.multi_reduction <add>, %exp3A_133, %reduce_sum3A_134 [1] : vector<4x16xf32> to vector<4xf32>
    %broadcast_in_dim3A_136 = vector.shape_cast %reduce_sum3A_135 : vector<4xf32> to vector<4x1xf32>
    %div3A_137 = vector.broadcast %broadcast_in_dim3A_136 : vector<4x1xf32> to vector<4x16xf32>
    %div3A_138 = arith.divf %exp3A_133, %div3A_137 : vector<4x16xf32>
    %log3A = math.log %div3A_138 : vector<4x16xf32>
    %add3A_139 = arith.constant 9.99999993E-9 : f32
    %add3A_140 = vector.broadcast %add3A_139 : f32 to vector<4x16xf32>
    %add3A_141 = arith.addf %div3A_118, %add3A_140 : vector<4x16xf32>
    %log3A_142 = math.log %add3A_141 : vector<4x16xf32>
    %sub3A_143 = arith.subf %log3A, %log3A_142 : vector<4x16xf32>
    %mul3A = arith.mulf %div3A_138, %sub3A_143 : vector<4x16xf32>
    %reduce_sum3A_144 = arith.constant dense<0.000000e+00> : vector<4xf32>
    %reduce_sum3A_145 = vector.multi_reduction <add>, %mul3A, %reduce_sum3A_144 [1] : vector<4x16xf32> to vector<4xf32>
    %broadcast_in_dim3A_146 = vector.shape_cast %reduce_sum3A_145 : vector<4xf32> to vector<4x1xf32>
    %div3A_147 = arith.constant 1.600000e+01 : f32
    %div3A_148 = vector.broadcast %div3A_147 : f32 to vector<4x1xf32>
    %div3A_149 = arith.divf %broadcast_in_dim3A_146, %div3A_148 : vector<4x1xf32>
    %reduce_sum3A_150 = arith.constant dense<0.000000e+00> : vector<1xf32>
    %reduce_sum3A_151 = vector.multi_reduction <add>, %div3A_149, %reduce_sum3A_150 [0] : vector<4x1xf32> to vector<1xf32>
    %broadcast_in_dim3A_152 = vector.shape_cast %reduce_sum3A_151 : vector<1xf32> to vector<1x1xf32>
    %div3A_153 = arith.constant 4.000000e+00 : f32
    %div3A_154 = vector.broadcast %div3A_153 : f32 to vector<1x1xf32>
    %div3A_155 = arith.divf %broadcast_in_dim3A_152, %div3A_154 : vector<1x1xf32>
    %swap3A = arith.constant 0 : index
    %swap3A_156 = arith.constant 0 : index
    %swap3A_157 = vector.load %arg3[%swap3A, %swap3A_156] : memref<1x1xf32, #tpu.memory_space<vmem>>, vector<1x1xf32>
    tpu.vector_store %arg3[%swap3A, %swap3A_156], %div3A_155 {strides = array<i32>} : memref<1x1xf32, #tpu.memory_space<vmem>>, vector<1x1xf32>,
    return
  }
}

</mosaic_0001>

<sc_bundles>
// kernel: kernel.5.cloned.1.call-start
scs
__scs_entry_jumppad:
0x0: {  	(pc) =	sbr.rel $0x88, $3  }
0x1: {  	(tag) =	ssettag $0x0;
	lr =	simm.s32 $0x1  }
0x2: {  	[smem:$0x3F9F] =	sst lr;
	_ =	strace $0xD0000000  }
0x3: {  	_ = 	snop  }
0x4: {  	_ = 	snop  }
0x5: {  	_ = 	snop  }
0x6: {  	_ = 	snop  }
0x7: {  	_ = 	snop  }
__scs_overlays_trampoline_lowered:
0x8: {  	[smem:$0x3FAE] =	sst s0  }
0x9: {  	[smem:$0x3FAF] =	sst s1  }
0xa: {  	[smem:$0x3FB0] =	sst s2  }
0xb: {  	[smem:$0x3FB1] =	sst s3  }
0xc: {  	[smem:$0x3FB2] =	sst s4  }
0xd: {  	[smem:$0x3FB3] =	sst s5  }
0xe: {  	[smem:$0x3FB4] =	sst s6  }
0xf: {  	[smem:$0x3FB5] =	sst s7  }
0x10: {  	[smem:$0x3FB6] =	sst s8  }
0x11: {  	[smem:$0x3FB7] =	sst s9;
	s0 =	simm.s32 @!p0 $0x0  }
0x12: {  	s1 =	sld [smem:$0x3F9D];
	s0 =	simm.s32 @p0 $0x1  }
0x13: {  	[smem:$0x3FB8] =	sst s0;
	s0 =	simm.s32 @!p1 $0x0  }
0x14: {  	s2 =	sld [smem:$0x3F9C];
	s0 =	simm.s32 @p1 $0x1  }
0x15: {  	[smem:$0x3FB9] =	sst s0;
	s0 =	simm.s32 @!p2 $0x0  }
0x16: {  	s3 =	sld [smem:$0x3FDB];
	s0 =	simm.s32 @p2 $0x1  }
0x17: {  	s4 =	simm.s32 $0x1BF5;
	[smem:$0x3FBB] =	sst s0  }
0x18: {  	s0 =	sld [smem:$0x3F9E];
	_ =	swait.ge [sflag:s4], $0x0  }
0x19: {  	s7 =	sld [smem:$0x3F9F]  }
0x1a: {  	s8 =	sadd.s32 $0xFFFFE003, lr  }
0x1b: {  	s9 =	sadd.s32 $0xFFFFFEF7, lr;
	s5 =	simm.s32 $0xFFFFFFFF;
	p2 =	slt.u32 s8, $0xFFFFF086  }
0x1c: {  	p1 =	slt.u32 s9, $0xF7A;
	s5 =	simm.s32 @!p2 $0x0  }
0x1d: {  	s5 =	simm.s32 @p1 $0x1;
	p0 =	seq.s32 s7, s2  }
0x1e: {  	s7 =	smul.u32 @!p0 $0xF7A, s2;
	p2 =	seq.s32 @!p0 s5, $0x0  }
0x1f: {  	s9 =	smul.u32 $0xF7A, s1;
	s8 =	simm.s32 @!p0 $0x1BF5;
	p2 =	por !p2, p0  }
0x20: {  	[sflag:s8] =	ssyncset.s32 @!p0 $0xFFFFF086;
	s6 =	sadd.s32 @!p0 s3, s7;
	s7 =	simm.s32 @!p0 $0x108  }
0x21: {  	s3 =	sadd.s32 s3, s9;
	s6 =	sadd.s32 @!p0 $0x88, s6;
	s7 =	simm.s32 @p2 $0x1082  }
0x22: {  	[simem:s7], [sflag:s8] =	dma.local @!p0 [hbm:s6], $0xF7A  }
0x23: {  	s9 =	sor.u32 $0xD0000000, s2;
	s6 =	simm.s32 $0x108;
	_ =	swait.ge @!p0 [sflag:s8], $0x0  }
0x24: {  	s3 =	sadd.s32 $0x88, s3;
	s6 =	simm.s32 @!p1 $0x1082;
	[sflag:s4] =	ssyncset.s32 $0xFFFFF086  }
0x25: {  	[simem:s6], [sflag:s4] =	dma.local [hbm:s3], $0xF7A  }
0x26: {  	[smem:$0x3F9F] =	sst s1;
	(tag) =	ssettag s2;
	_ =	strace s9  }
0x27: {  	s1 =	sld [smem:$0x3FAF]  }
0x28: {  	s2 =	sld [smem:$0x3FB0]  }
0x29: {  	s4 =	sld [smem:$0x3FB2]  }
0x2a: {  	p0 =	seq.s32 s5, $0x0;
	s5 =	sld [smem:$0x3FB3]  }
0x2b: {  	s6 =	sld [smem:$0x3FB4]  }
0x2c: {  	s7 =	sld [smem:$0x3FB5]  }
0x2d: {  	s3 =	simm.s32 $0x108;
	s8 =	sld [smem:$0x3FB6]  }
0x2e: {  	s3 =	simm.s32 @!p0 $0x1082;
	s9 =	sld [smem:$0x3FB7]  }
0x2f: {  	lr =	sadd.s32 s0, s3;
	s0 =	sld [smem:$0x3FAE]  }
0x30: {  	s3 =	sld [smem:$0x3FB1]  }
0x31: {  	[smem:$0x3FBA] =	sst s10  }
0x32: {  	s10 =	sld [smem:$0x3FB8];
	_ =	sdelay $0x3  }
0x33: {  	p0 =	seq.s32 s10, $0x1;
	s10 =	sld [smem:$0x3FBA];
	_ =	sdelay $0x3  }
0x34: {  	[smem:$0x3FBA] =	sst s10  }
0x35: {  	s10 =	sld [smem:$0x3FB9];
	_ =	sdelay $0x3  }
0x36: {  	p1 =	seq.s32 s10, $0x1;
	s10 =	sld [smem:$0x3FBA];
	_ =	sdelay $0x3  }
0x37: {  	[smem:$0x3FBA] =	sst s10  }
0x38: {  	s10 =	sld [smem:$0x3FBB]  }
0x39: {  	_ = 	snop;
	(pc) =	sbr.ind lr, $3  }
0x3a: {  	_ = 	snop  }
0x3b: {  	_ = 	snop  }
0x3c: {  	p2 =	seq.s32 s10, $0x1;
	s10 =	sld [smem:$0x3FBA]  }
0x3d: {  	_ =	shalt  }
0x3e: {  	_ =	shalt  }
0x3f: {  	_ =	shalt  }
0x40: {  	_ =	shalt  }
0x41: {  	_ =	shalt  }
0x42: {  	_ =	shalt  }
0x43: {  	_ =	shalt  }
0x44: {  	_ =	shalt  }
0x45: {  	_ =	shalt  }
0x46: {  	_ =	shalt  }
0x47: {  	_ =	shalt  }
0x48: {  	_ =	shalt  }
0x49: {  	_ =	shalt  }
0x4a: {  	_ =	shalt  }
0x4b: {  	_ =	shalt  }
0x4c: {  	_ =	shalt  }
0x4d: {  	_ =	shalt  }
0x4e: {  	_ =	shalt  }
0x4f: {  	_ =	shalt  }
0x50: {  	_ =	shalt  }
0x51: {  	_ =	shalt  }
0x52: {  	_ =	shalt  }
0x53: {  	_ =	shalt  }
0x54: {  	_ =	shalt  }
0x55: {  	_ =	shalt  }
0x56: {  	_ =	shalt  }
0x57: {  	_ =	shalt  }
0x58: {  	_ =	shalt  }
0x59: {  	_ =	shalt  }
0x5a: {  	_ =	shalt  }
0x5b: {  	_ =	shalt  }
0x5c: {  	_ =	shalt  }
0x5d: {  	_ =	shalt  }
0x5e: {  	_ =	shalt  }
0x5f: {  	_ =	shalt  }
0x60: {  	_ =	shalt  }
0x61: {  	_ =	shalt  }
0x62: {  	_ =	shalt  }
0x63: {  	_ =	shalt  }
0x64: {  	_ =	shalt  }
0x65: {  	_ =	shalt  }
0x66: {  	_ =	shalt  }
0x67: {  	_ =	shalt  }
0x68: {  	_ =	shalt  }
0x69: {  	_ =	shalt  }
0x6a: {  	_ =	shalt  }
0x6b: {  	_ =	shalt  }
0x6c: {  	_ =	shalt  }
0x6d: {  	_ =	shalt  }
0x6e: {  	_ =	shalt  }
0x6f: {  	_ =	shalt  }
0x70: {  	_ =	shalt  }
0x71: {  	_ =	shalt  }
0x72: {  	_ =	shalt  }
0x73: {  	_ =	shalt  }
0x74: {  	_ =	shalt  }
0x75: {  	_ =	shalt  }
0x76: {  	_ =	shalt  }
0x77: {  	_ =	shalt  }
0x78: {  	_ =	shalt  }
0x79: {  	_ =	shalt  }
0x7a: {  	_ =	shalt  }
0x7b: {  	_ =	shalt  }
0x7c: {  	_ =	shalt  }
0x7d: {  	_ =	shalt  }
0x7e: {  	_ =	shalt  }
0x7f: {  	_ =	shalt  }
0x80: {  	_ =	shalt  }
0x81: {  	_ =	shalt  }
0x82: {  	_ =	shalt  }
0x83: {  	_ =	shalt  }
0x84: {  	_ =	shalt  }
0x85: {  	_ =	shalt  }
0x86: {  	_ =	shalt  }
0x87: {  	_ =	shalt  }
.Lfunc_end0:
.L_simem_size_0:
called_computation_lowered:
.L_overlay_start_0:
0x88: {  	s2 =	sld [smem:$0x3FD9]  }
0x89: {  	s3 =	sld [smem:$0x3FFE];
	_ =	sdelay $0x1  }
0x8a: {  	s1 =	srdreg.scid  }
0x8b: {  	s0 =	sand.u32 $0x1, s1  }
0x8c: {  	s17 =	sshll.u32 s0, $0xA;
	s2 =	sadd.s32 s3, s2  }
0x8d: {  	s2 =	sadd.s32 s2, s17  }
0x8e: {  	[smem:$0x3FC6] =	sst s2  }
0x8f: {  	_ = 	snop  }
0x90: {  	s2 =	sld [smem:$0x3FC9];
	(tm) =	ssettm $0x1  }
0x91: {  	s18 =	sld [smem:$0x3FFB];
	_ =	sdelay $0x3  }
0x92: {  	_ =	strace s18  }
0x93: {  	s3 =	sld [smem:$0x3FFC];
	_ =	sdelay $0x3  }
0x94: {  	_ =	strace s3  }
0x95: {  	s3 =	sld [smem:$0x3FFD];
	_ =	sdelay $0x3  }
0x96: {  	_ =	strace s3  }
0x97: {  	_ =	strace $0x8FFFFFFF  }
0x98: {  	s19 =	sld [smem:$0x3FDB];
	_ =	sdelay $0x1  }
0x99: {  	s4 =	simm.s32 $_scs_section_size  }
0x9a: {  	s5 =	simm.s32 $_size__tile_overlayer_lowered;
	s6 =	simm.s32 $_tile_overlayer_lowered  }
0x9b: {  	s22 =	simm.s32 $0x1BFF;
	s21 =	sshll.u32 s6, $0x1;
	s3 =	sadd.s32 s4, s19  }
0x9c: {  	s7 =	simm.s32 $0x0;
	s20 =	sshll.u32 s5, $0x1;
	s5 =	sadd.s32 s21, s3  }
0x9d: {  	[timem:s7], [sflag:s22] =	dma.local [hbm:s5], s20  }
0x9e: {  	_ =	swait.ge [sflag:s22], s20  }
0x9f: {  	s4 =	ssub.s32 $0x0, s20;
	[sflag:s22] =	ssyncset.done $0x0  }
0xa0: {  	[sflag:s22] =	ssyncadd.s32 s4;
	_ =	sdelay $0x1  }
0xa1: {  	s23 =	simm.s32 $0x1B8B  }
0xa2: {  	_ =	swait.ge [sflag:s23], $0x1  }
0xa3: {  	[sflag:s23] =	ssyncset.done $0x0  }
0xa4: {  	s25 =	simm.s32 $0x1B8E;
	s24 =	sld [smem:$0x3FFE];
	[sflag:s23] =	ssyncadd.s32 $0xFFFFFFFF  }
0xa5: {  	s26 =	simm.s32 $execute0_lowered;
	[smem:$0x3FD2] =	sst s25  }
0xa6: {  	s5 =	sshll.u32 s26, $0x1;
	_ =	strace $0x80000046;
	[dreg:$0x1] =	wrdreg $0xFFFFFFFF  }
0xa7: {  	s28 =	simm.s32 $_size_execute0_lowered;
	s3 =	sadd.s32 s3, s5;
	[dreg:$0x0] =	wrdreg $0x0  }
0xa8: {  	s5 =	sshll.u32 s28, $0x1;
	[dreg:$0x2] =	wrdreg s3  }
0xa9: {  	[dreg:$0x3] =	wrdreg s5  }
0xaa: {  	[dreg:$0x4] =	wrdreg $0xC0  }
0xab: {  	_ =	task [dreg:s7], $0x5FFFF  }
0xac: {  	[dreg:$0x1] =	wrdreg $0xFFFFFFFF  }
0xad: {  	[dreg:$0x0] =	wrdreg $0x60  }
0xae: {  	[dreg:$0x2] =	wrdreg s2  }
0xaf: {  	[dreg:$0x3] =	wrdreg s24  }
0xb0: {  	[dreg:$0x4] =	wrdreg $0x9  }
0xb1: {  	_ =	task.clear_ibuf [dreg:s7], $0x5FFFF;
	_ =	strace $0x90000046  }
0xb2: {  	s29 =	simm.s32 $0x9;
	_ =	strace $0x80000048  }
0xb3: {  	_ =	swait.ge [sflag:s29], $0x1  }
0xb4: {  	[sflag:s29] =	ssyncadd.s32 $0xFFFFFFFF  }
0xb5: {  	_ =	strace $0x90000048  }
0xb6: {  	_ =	sfence  }
0xb7: {  	s30 =	sld [smem:$0x0];
	_ =	sdelay $0x2  }
0xb8: {  	s31 =	sshll.u32 s1, $0xD;
	s1 =	sshrl.u32 s1, $0x2  }
0xb9: {  	s3 =	sand.u32 $0x4000, s31;
	s1 =	sadd.s32 s1, s30  }
0xba: {  	s0 =	sor.u32 s3, s0;
	s1 =	sshll.u32 s1, $0x11  }
0xbb: {  	s0 =	sor.u32 s1, s0  }
0xbc: {  	s0 =	sadd.s32 $0x8F2B, s0  }
0xbd: {  	[sflag:s0] =	ssyncadd.remote.s32 $0x1  }
0xbe: {  	_ =	sfence.sel $0xFFFF  }
0xbf: {  	[dreg:$0x0] =	wrdreg $0xFFFFFFFF;
	(pc) =	sbr.abs _section_cstart, $3  }
0xc0: {  	[dreg:$0x1] =	wrdreg $0xFFFFFFFF  }
0xc1: {  	_ =	task.clear_ibuf [dreg:s7], $0x2FFFF;
	_ =	strace $0x9FFFFFFF  }
0xc2: {  	(tm) =	ssettm $0x7FFFFFFF  }
0xc3: {  	_ =	shalt  }
tec
execute0_lowered:
.L_overlay_start_1:
0x0: {  	(tag) =	ssettag $0x1  }
0x1: {  	s4 =	rddreg [dreg:$0x0]  }
0x2: {  	s0 =	srdreg.scid;
	s7 =	rddreg [dreg:$0x1]  }
0x3: {  	s2 =	simm.s32 $0x0;
	s8 =	simm.s32 $0x1;
	s12 =	simm.s32 $0x4000  }
0x4: {  	s13 =	simm.s32 $0x2;
	s14 =	simm.s32 $0x8000;
	s3 =	sand.u32 $0x1, s0  }
0x5: {  	s15 =	simm.s32 $0x3;
	s0 =	stileid.u32;
	s1 =	sshll.u32 s3, $0x4  }
0x6: {  	s16 =	simm.s32 $0x0;
	s6 =	sand.u32 $0x7, s0;
	s5 =	sor.u32 s0, s1  }
0x7: {  	v0 =	vimm.s32 $0xFEDCBA98;
	v1 =	vimm.s32 $0x76543210;
	[smem:$0x7FF] =	sst s2;
	p1 =	sne.s32 s6, $0x0;
	p0 =	seq.s32 s5, $0x0  }
0x8: {  	v2 =	vimm.s32 $0xBA98FEDC;
	v3 =	vimm.s32 $0x32107654;
	v4 =	vimm.s32 $0xDCFE98BA;
	s10 =	sshll.u32 s0, $0x4;
	s3 =	ssub.s32 $0x2, s3;
	p0 =	por !p1, !p0  }
0x9: {  	v5 =	vimm.s32 $0x54761032;
	v6 =	vimm.s32 $0xEFCDAB89;
	s1 =	rddreg [dreg:$0x2];
	_ =	strace $0x80000047;
	p0 =	por !p0, !p0  }
0xa: {  	v7 =	vimm.s32 $0x67452301;
	v0 =	vunpack.c.l.s4.s8 v0;
	v1 =	vunpack.c.l.s4.s8 v1;
	s6 =	smul.u32 $0x3000, s6;
	s9 =	sshrl.u32 s5, $0x3;
	s8 =	simm.s32 @!p0 $0x0  }
0xb: {  	v2 =	vunpack.c.l.s4.s8 v2;
	v3 =	vunpack.c.l.s4.s8 v3;
	v4 =	vunpack.c.l.s4.s8 v4;
	s24 =	sand.u32 $0x70, s10;
	s25 =	sshrl.u32 s3, $0x1;
	s8 =	ssub.s32 s9, s8  }
0xc: {  	v5 =	vunpack.c.l.s4.s8 v5;
	v6 =	vunpack.c.l.s4.s8 v6;
	v7 =	vunpack.c.l.s4.s8 v7;
	s26 =	sadd.s32 s24, s7;
	s30 =	sshll.u32 s5, $0x4;
	s8 =	sshll.u32 s8, $0x12  }
0xd: {  	v0 =	vunpack.c.0.s8.s32 v0;
	v1 =	vunpack.c.0.s8.s32 v1;
	v2 =	vunpack.c.0.s8.s32 v2;
	s11 =	ssub.s32 s3, s25;
	s31 =	sand.u32 $0x180, s30;
	s6 =	sor.u32 s6, s8  }
0xe: {  	v3 =	vunpack.c.0.s8.s32 v3;
	v4 =	vunpack.c.0.s8.s32 v4;
	v5 =	vunpack.c.0.s8.s32 v5;
	s3 =	simm.s32 $0x1;
	s10 =	sadd.s32 s31, s26;
	s28 =	sand.u32 $0x1FFDF000, s6  }
0xf: {  	v6 =	vunpack.c.0.s8.s32 v6;
	v7 =	vunpack.c.0.s8.s32 v7;
	v0 =	vand.u32 $0xF, v0;
	s11 =	smax.u32 s11, $0x1;
	s10 =	sadd.s32 $0x800, s10;
	s29 =	sadd.s32 s4, s28  }
0x10: {  	v0 =	vcombine.low v0, v1;
	v1 =	vcombine.low v3, v2;
	s4 =	sadd.s32 s4, s6;
	s5 =	sadd.s32 $0x800, s29;
	s6 =	sadd.s32 $0x1000, s29  }
0x11: {  	v2 =	vcombine.low v5, v4;
	v3 =	vcombine.low v7, v6;
	s7 =	sadd.s32 $0x1800, s29;
	s8 =	sadd.s32 $0x2000, s29;
	s9 =	sadd.s32 $0x2800, s29  }
.LBB2_1:
0x12: {  	[tilespmem:s2], [sflag:$0x1] =	stream.linear.gather [hbm4b:s4+s2], $0x4000, $0x38;
	[tilespmem:$0x8080] =	vst v63  }
0x13: {  	_ = 	snop  }
0x14: {  	[tilespmem:s12], [sflag:$0x2] =	stream.linear.gather [hbm4b:s5+s2], $0x4000, $0x38;
	[tilespmem:$0x8080] =	vst v63  }
0x15: {  	_ =	swait.ge [sflag:s3], $0x4000  }
0x16: {  	[sflag:s3] =	ssyncset.done $0x0  }
0x17: {  	s17 =	simm.s32 $0x0;
	[sflag:s3] =	ssyncadd.s32 $0xFFFFC000  }
0x18: {  	v4 =	vld [tilespmem:s17+$0x0]  }
0x19: {  	v5 =	vld [tilespmem:s17+$0x10]  }
0x1a: {  	v6 =	vld [tilespmem:s17+$0x20]  }
0x1b: {  	v7 =	vld [tilespmem:s17+$0x30]  }
0x1c: {  	v8 =	vld [tilespmem:s17+$0x40]  }
0x1d: {  	v9 =	vld [tilespmem:s17+$0x50];
	v4 =	vmul.f32 $1.442695020e+00, v4  }
0x1e: {  	v10 =	vld [tilespmem:s17+$0x60];
	v5 =	vmul.f32 $1.442695020e+00, v5  }
0x1f: {  	v6 =	vmul.f32 $1.442695020e+00, v6;
	(erf) = vpow2.f32 v4;
	v4 =	vld [tilespmem:s17+$0x70]  }
0x20: {  	v7 =	vmul.f32 $1.442695020e+00, v7;
	(erf) = vpow2.f32 v5  }
0x21: {  	v5 =	vmul.f32 $1.442695020e+00, v8;
	(erf) = vpow2.f32 v6  }
0x22: {  	v6 =	vmul.f32 $1.442695020e+00, v9;
	(erf) = vpow2.f32 v7  }
0x23: {  	(erf) = vpow2.f32 v5;
	v5 =	vmul.f32 $1.442695020e+00, v10  }
0x24: {  	(erf) = vpow2.f32 v6;
	v4 =	vmul.f32 $1.442695020e+00, v4  }
0x25: {  	(erf) = vpow2.f32 v5  }
0x26: {  	s30 =	simm.s32 $0x80;
	(erf) = vpow2.f32 v4  }
0x27: {  	v11 =	vld [tilespmem:s30+$0x10]  }
0x28: {  	v12 =	vld [tilespmem:s30+$0x20];
	v9 =	vpop (erf)  }
0x29: {  	v5 =	vld [tilespmem:s30+$0x0];
	v10 =	vpop (erf)  }
0x2a: {  	v13 =	vld [tilespmem:s30+$0x30];
	v7 =	vpop (erf)  }
0x2b: {  	v4 =	vpop (erf)  }
0x2c: {  	v14 =	vld [tilespmem:s30+$0x40];
	v6 =	vpop (erf)  }
0x2d: {  	v11 =	vmul.f32 $1.442695020e+00, v11;
	v8 =	vpop (erf)  }
0x2e: {  	v16 =	vld [tilespmem:s30+$0x50];
	v12 =	vmul.f32 $1.442695020e+00, v12;
	v15 =	vmul.f32 $1.442695020e+00, v5;
	v5 =	vpop (erf)  }
0x2f: {  	v19 =	vld [tilespmem:s30+$0x60];
	v13 =	vmul.f32 $1.442695020e+00, v13;
	v17 =	vadd.f32 v10, v9;
	v18 =	vadd.f32 v4, v7;
	v22 =	vpop (erf)  }
0x30: {  	v20 =	vld [tilespmem:s30+$0x70];
	(erf) = vpow2.f32 v15;
	v15 =	vadd.f32 v8, v6;
	v21 =	vadd.f32 v22, v5  }
0x31: {  	v14 =	vmul.f32 $1.442695020e+00, v14;
	(erf) = vpow2.f32 v11  }
0x32: {  	(erf) = vpow2.f32 v12;
	v11 =	vadd.f32 v18, v17;
	v12 =	vadd.f32 v21, v15  }
0x33: {  	(erf) = vpow2.f32 v13;
	v15 =	vmul.f32 $1.442695020e+00, v16  }
0x34: {  	v13 =	vmul.f32 $1.442695020e+00, v19;
	(erf) = vpow2.f32 v14;
	v11 =	vadd.f32 v12, v11  }
0x35: {  	s31 =	simm.s32 $0x100;
	(erf) = vpow2.f32 v15;
	v12 =	vmul.f32 $1.442695020e+00, v20  }
0x36: {  	v17 =	vld [tilespmem:s31+$0x20];
	(erf) = vpow2.f32 v13;
	v13 =	vperm.xlane v11, v0  }
0x37: {  	v18 =	vld [tilespmem:s31+$0x30]  }
0x38: {  	v16 =	vld [tilespmem:s31+$0x0];
	(erf) = vpow2.f32 v12;
	v19 =	vadd.f32 v11, v13  }
0x39: {  	v15 =	vld [tilespmem:s31+$0x10]  }
0x3a: {  	v20 =	vld [tilespmem:s31+$0x40];
	v12 =	vpop (erf);
	v23 =	vperm.xlane v19, v1  }
0x3b: {  	v14 =	vpop (erf)  }
0x3c: {  	v11 =	vpop (erf);
	v19 =	vadd.f32 v19, v23  }
0x3d: {  	v17 =	vmul.f32 $1.442695020e+00, v17;
	v24 =	vmul.f32 $1.442695020e+00, v16;
	v13 =	vpop (erf)  }
0x3e: {  	v21 =	vld [tilespmem:s31+$0x50];
	v23 =	vmul.f32 $1.442695020e+00, v15;
	v15 =	vpop (erf);
	v26 =	vperm.xlane v19, v2  }
0x3f: {  	v25 =	vmul.f32 $1.442695020e+00, v18;
	v27 =	vmul.f32 $1.442695020e+00, v20;
	v16 =	vpop (erf)  }
0x40: {  	v28 =	vadd.f32 v14, v12;
	v18 =	vpop (erf);
	(erf) = vpow2.f32 v24;
	v19 =	vadd.f32 v19, v26  }
0x41: {  	v29 =	vadd.f32 v13, v11;
	v24 =	vadd.f32 v16, v15;
	v20 =	vpop (erf);
	(erf) = vpow2.f32 v23;
	v26 =	vld [tilespmem:s31+$0x60]  }
0x42: {  	v30 =	vld [tilespmem:s31+$0x70];
	v23 =	vadd.f32 v20, v18;
	(erf) = vpow2.f32 v17;
	v17 =	vperm.xlane v19, v3  }
0x43: {  	v21 =	vmul.f32 $1.442695020e+00, v21;
	(erf) = vpow2.f32 v25;
	v25 =	vadd.f32 v29, v28  }
0x44: {  	v23 =	vadd.f32 v23, v24;
	(erf) = vpow2.f32 v27;
	v17 =	vadd.f32 v19, v17  }
0x45: {  	s17 =	simm.s32 $0x180;
	(erf) = vpow2.f32 v21  }
0x46: {  	v24 =	vld [tilespmem:s17+$0x0];
	v21 =	vadd.f32 v23, v25;
	(erf) = vrcp.f32 v17;
	v17 =	vmul.f32 $1.442695020e+00, v26  }
0x47: {  	v33 =	vld [tilespmem:s17+$0x50];
	v27 =	vmul.f32 $1.442695020e+00, v30  }
0x48: {  	v23 =	vld [tilespmem:s17+$0x10];
	v25 =	vperm.xlane v21, v0;
	(erf) = vpow2.f32 v17  }
0x49: {  	v26 =	vld [tilespmem:s17+$0x20];
	v19 =	vpop (erf);
	(erf) = vpow2.f32 v27  }
0x4a: {  	v28 =	vld [tilespmem:s17+$0x30];
	v30 =	vadd.f32 v21, v25  }
0x4b: {  	v39 =	vimm.f32 $0.0e+00;
	v32 =	vld [tilespmem:s17+$0x40];
	v34 =	vmul.f32 $1.442695020e+00, v24;
	v17 =	vpop (erf)  }
0x4c: {  	v38 =	vimm.f32 $0.0e+00;
	v36 =	vimm.f32 $0.0e+00;
	v27 =	vperm.xlane v30, v1;
	v21 =	vpop (erf)  }
0x4d: {  	v37 =	vimm.f32 $0.0e+00;
	v31 =	vmul.f32 $1.442695020e+00, v23;
	(erf) = vpow2.f32 v34;
	v25 =	vpop (erf)  }
0x4e: {  	v34 =	vimm.f32 $0.0e+00;
	v29 =	vmul.f32 $1.442695020e+00, v26;
	v35 =	vadd.f32 v30, v27;
	v24 =	vpop (erf)  }
0x4f: {  	v26 =	vmul.f32 $1.442695020e+00, v33;
	v43 =	vadd.f32 v17, v19;
	v30 =	vmul.f32 $1.442695020e+00, v28;
	v23 =	vpop (erf)  }
0x50: {  	v27 =	vimm.f32 $0.0e+00;
	v28 =	vmul.f32 $1.442695020e+00, v32;
	v63 =	vperm.xlane v35, v2;
	v40 =	vpop (erf)  }
0x51: {  	v32 =	vimm.f32 $0.0e+00;
	v46 =	vadd.f32 v25, v21;
	v45 =	vmul.f32 v40, v22;
	v22 =	vpop (erf)  }
0x52: {  	s18 =	simm.s32 $0x800;
	v33 =	vld [tilespmem:s17+$0x60];
	v47 =	vadd.f32 v23, v24;
	v42 =	vadd.f32 v35, v63;
	v35 =	vimm.f32 $0.0e+00;
	v41 =	vpop (erf)  }
.LBB2_2:
0x53: {  	(erf) = vpow2.f32 v31;
	v31 =	vadd.f32 v41, v22;
	v27 =	vadd.f32 v45, v27;
	v45 =	vmovc v7;
	v7 =	vmovc v11  }
0x54: {  	p0 =	sne.s32 s18, $0xFE00;
	v44 =	vld [tilespmem:s17+$0x70];
	v11 =	vmovc v21;
	v21 =	vmovc v4;
	v4 =	vmov v13;
	v13 =	vmov v25;
	v25 =	vmov v6  }
0x55: {  	v6 =	vmovc v15;
	v15 =	vmovc v24;
	v24 =	vmov v8;
	(erf) = vpow2.f32 v29;
	v29 =	vperm.xlane v42, v3  }
0x56: {  	v43 =	vadd.f32 v46, v43;
	v8 =	vmovc v16;
	v16 =	vmovc v23;
	(erf) = vpow2.f32 v30;
	v31 =	vadd.f32 v31, v47  }
0x57: {  	s17 =	sshra.s32 s18, $0x2;
	(erf) = vpow2.f32 v28;
	v23 =	vadd.f32 v42, v29;
	v28 =	vmul.f32 v40, v9;
	v9 =	vmovc v12;
	v12 =	vmovc v19  }
0x58: {  	v30 =	vmovc v5;
	v5 =	vmovc v18;
	v29 =	vld [tilespmem:s17+$0x0];
	v19 =	vmul.f32 $1.442695020e+00, v33;
	(erf) = vpow2.f32 v26;
	v26 =	vadd.f32 v31, v43  }
0x59: {  	v18 =	vmovc v22;
	v42 =	vmovc v20;
	v31 =	vld [tilespmem:s17+$0x10];
	v33 =	vmul.f32 $1.442695020e+00, v44;
	(erf) = vrcp.f32 v23;
	v39 =	vadd.f32 v28, v39  }
0x5a: {  	v20 =	vmov v41;
	v22 =	vld [tilespmem:s17+$0x20];
	(erf) = vpow2.f32 v19;
	v23 =	vperm.xlane v26, v0  }
0x5b: {  	v28 =	vld [tilespmem:s17+$0x30];
	(erf) = vpow2.f32 v33;
	v33 =	vmul.f32 v40, v10;
	v10 =	vmovc v14;
	v14 =	vmov v17  }
0x5c: {  	v43 =	vmul.f32 v40, v21;
	v41 =	vld [tilespmem:s17+$0x40];
	v19 =	vpop (erf);
	v23 =	vadd.f32 v26, v23;
	v26 =	vmul.f32 v40, v45  }
0x5d: {  	v45 =	vmul.f32 v40, v24;
	v44 =	vld [tilespmem:s17+$0x50];
	v17 =	vpop (erf);
	v38 =	vadd.f32 v33, v38;
	v33 =	vmul.f32 v40, v25  }
0x5e: {  	v47 =	vmul.f32 v40, v30;
	v21 =	vpop (erf);
	v46 =	vperm.xlane v23, v1;
	v35 =	vadd.f32 v26, v35  }
0x5f: {  	v34 =	vadd.f32 v43, v34;
	v48 =	vmul.f32 $1.442695020e+00, v29;
	v25 =	vpop (erf);
	v36 =	vadd.f32 v33, v36  }
.Ltmp0:
0x60: {  	v31 =	vmul.f32 $1.442695020e+00, v31;
	v29 =	vmul.f32 $1.442695020e+00, v22;
	v24 =	vpop (erf);
	v49 =	vadd.f32 v23, v46;
	(pc) =	sbr.rel @p0 .LBB2_2-.Ltmp0, $4  }
0x61: {  	v37 =	vadd.f32 v45, v37;
	v30 =	vmul.f32 $1.442695020e+00, v28;
	v28 =	vmul.f32 $1.442695020e+00, v41;
	v23 =	vpop (erf)  }
0x62: {  	v32 =	vadd.f32 v47, v32;
	v26 =	vmul.f32 $1.442695020e+00, v44;
	v44 =	vperm.xlane v49, v2;
	v40 =	vpop (erf)  }
0x63: {  	v43 =	vadd.f32 v17, v19;
	v46 =	vadd.f32 v25, v21;
	v22 =	vpop (erf);
	v45 =	vmul.f32 v40, v42  }
0x64: {  	s18 =	sadd.s32 $0x200, s18;
	v47 =	vadd.f32 v23, v24;
	v33 =	vld [tilespmem:s17+$0x60];
	(erf) = vpow2.f32 v48;
	v41 =	vpop (erf);
	v42 =	vadd.f32 v49, v44  }
0x65: {  	v44 =	vld [tilespmem:s17+$0x70];
	(erf) = vpow2.f32 v31  }
0x66: {  	(erf) = vpow2.f32 v29;
	v29 =	vperm.xlane v42, v3  }
0x67: {  	(erf) = vpow2.f32 v30  }
0x68: {  	(erf) = vpow2.f32 v28;
	v28 =	vadd.f32 v42, v29  }
0x69: {  	v29 =	vmul.f32 $1.442695020e+00, v33;
	(erf) = vpow2.f32 v26  }
0x6a: {  	v26 =	vmul.f32 $1.442695020e+00, v44;
	(erf) = vrcp.f32 v28  }
0x6b: {  	(erf) = vpow2.f32 v29  }
0x6c: {  	(erf) = vpow2.f32 v26  }
0x6d: {  	v42 =	vpop (erf)  }
0x6e: {  	v33 =	vpop (erf)  }
0x6f: {  	v30 =	vpop (erf)  }
0x70: {  	v31 =	vpop (erf)  }
0x71: {  	v28 =	vpop (erf)  }
0x72: {  	v29 =	vpop (erf)  }
0x73: {  	v48 =	vpop (erf)  }
0x74: {  	v49 =	vadd.f32 v41, v22;
	v26 =	vpop (erf)  }
0x75: {  	v50 =	vadd.f32 v33, v42;
	v51 =	vadd.f32 v31, v30;
	v44 =	vpop (erf)  }
0x76: {  	v52 =	vadd.f32 v29, v28;
	v53 =	vadd.f32 v44, v26  }
0x77: {  	v43 =	vadd.f32 v46, v43;
	v62 =	vadd.f32 v49, v47  }
0x78: {  	v63 =	vadd.f32 v51, v50;
	v54 =	vadd.f32 v53, v52  }
0x79: {  	v43 =	vadd.f32 v62, v43  }
0x7a: {  	v55 =	vadd.f32 v54, v63  }
0x7b: {  	v56 =	vperm.xlane v43, v0  }
0x7c: {  	v49 =	vperm.xlane v55, v0  }
0x7d: {  	v43 =	vadd.f32 v43, v56  }
0x7e: {  	v46 =	vadd.f32 v55, v49  }
0x7f: {  	v47 =	vperm.xlane v43, v1  }
0x80: {  	v49 =	vperm.xlane v46, v1  }
0x81: {  	v43 =	vadd.f32 v43, v47  }
0x82: {  	v46 =	vadd.f32 v46, v49  }
0x83: {  	v47 =	vperm.xlane v43, v2  }
0x84: {  	v49 =	vperm.xlane v46, v2  }
0x85: {  	v43 =	vadd.f32 v43, v47  }
0x86: {  	v46 =	vadd.f32 v46, v49  }
0x87: {  	v47 =	vperm.xlane v43, v3  }
0x88: {  	v49 =	vperm.xlane v46, v3  }
0x89: {  	v43 =	vadd.f32 v43, v47  }
0x8a: {  	v46 =	vadd.f32 v46, v49  }
0x8b: {  	(erf) = vrcp.f32 v43  }
0x8c: {  	(erf) = vrcp.f32 v46;
	_ =	sdelay $0x7  }
0x8d: {  	s28 =	simm.s32 $0x0;
	v46 =	vpop (erf)  }
0x8e: {  	[tilespmem:s28], [sflag:$0x1] =	stream.linear.gather [hbm4b:s6+s28], $0x4000, $0x38;
	v43 =	vpop (erf);
	[tilespmem:$0x8080] =	vst v63  }
0x8f: {  	_ =	swait.ge [sflag:s13], $0x4000  }
0x90: {  	[sflag:s13] =	ssyncset.done $0x0  }
0x91: {  	s29 =	simm.s32 $0x0;
	[sflag:s13] =	ssyncadd.s32 $0xFFFFC000  }
0x92: {  	v57 =	vld [tilespmem:s29+$0x4000]  }
0x93: {  	v58 =	vld [tilespmem:s29+$0x4010]  }
0x94: {  	v59 =	vld [tilespmem:s29+$0x4020]  }
0x95: {  	v60 =	vld [tilespmem:s29+$0x4030]  }
0x96: {  	v9 =	vmul.f32 v40, v9;
	v10 =	vmul.f32 v40, v10;
	v61 =	vld [tilespmem:s29+$0x4040]  }
0x97: {  	v7 =	vmul.f32 v40, v7;
	v62 =	vld [tilespmem:s29+$0x4050];
	v47 =	vmul.f32 $1.442695020e+00, v57  }
0x98: {  	v4 =	vmul.f32 v40, v4;
	v63 =	vld [tilespmem:s29+$0x4060];
	v49 =	vmul.f32 $1.442695020e+00, v58  }
0x99: {  	v54 =	vld [tilespmem:s29+$0x4070];
	v50 =	vmul.f32 $1.442695020e+00, v59;
	(erf) = vpow2.f32 v47  }
0x9a: {  	v51 =	vmul.f32 $1.442695020e+00, v60;
	(erf) = vpow2.f32 v49  }
0x9b: {  	v55 =	vmul.f32 $1.442695020e+00, v61;
	(erf) = vpow2.f32 v50  }
0x9c: {  	v47 =	vmul.f32 $1.442695020e+00, v62;
	(erf) = vpow2.f32 v51  }
0x9d: {  	v49 =	vmul.f32 $1.442695020e+00, v63;
	(erf) = vpow2.f32 v55  }
0x9e: {  	v56 =	vmul.f32 $1.442695020e+00, v54;
	(erf) = vpow2.f32 v47  }
0x9f: {  	v27 =	vadd.f32 v45, v27;
	v6 =	vmul.f32 v40, v6;
	(erf) = vpow2.f32 v49  }
0xa0: {  	s30 =	simm.s32 $0x80;
	v8 =	vmul.f32 v40, v8;
	v9 =	vadd.f32 v9, v39;
	(erf) = vpow2.f32 v56  }
0xa1: {  	v10 =	vadd.f32 v10, v38;
	v36 =	vadd.f32 v6, v36;
	v6 =	vmul.f32 v48, v20;
	v20 =	vld [tilespmem:s30+$0x4020]  }
0xa2: {  	v37 =	vadd.f32 v8, v37;
	v8 =	vmul.f32 v48, v12;
	v57 =	vld [tilespmem:s30+$0x4000];
	v58 =	vmul.f32 v40, v5;
	v5 =	vpop (erf)  }
0xa3: {  	v35 =	vadd.f32 v7, v35;
	v12 =	vmul.f32 v48, v14;
	v11 =	vmul.f32 v48, v11;
	v59 =	vld [tilespmem:s30+$0x4010];
	v7 =	vpop (erf)  }
0xa4: {  	v13 =	vmul.f32 v48, v13;
	v15 =	vmul.f32 v48, v15;
	v40 =	vadd.f32 v4, v34;
	v60 =	vld [tilespmem:s30+$0x4030];
	v4 =	vpop (erf)  }
0xa5: {  	v16 =	vmul.f32 v48, v16;
	v14 =	vadd.f32 v6, v27;
	v27 =	vadd.f32 v8, v9;
	v6 =	vpop (erf)  }
0xa6: {  	v18 =	vmul.f32 v48, v18;
	v12 =	vadd.f32 v12, v10;
	v35 =	vadd.f32 v11, v35;
	v61 =	vld [tilespmem:s30+$0x4040];
	v8 =	vpop (erf)  }
0xa7: {  	v37 =	vadd.f32 v16, v37;
	v16 =	vmul.f32 v46, v19;
	v20 =	vmul.f32 $1.442695020e+00, v20;
	v10 =	vpop (erf)  }
0xa8: {  	v11 =	vld [tilespmem:s30+$0x4050];
	v32 =	vadd.f32 v58, v32;
	v38 =	vmul.f32 $1.442695020e+00, v57;
	v62 =	vmul.f32 $1.442695020e+00, v59;
	v9 =	vpop (erf)  }
0xa9: {  	v39 =	vmul.f32 $1.442695020e+00, v60;
	v55 =	vld [tilespmem:s30+$0x4060];
	v63 =	vadd.f32 v7, v5;
	v54 =	vadd.f32 v6, v4;
	v34 =	vpop (erf)  }
0xaa: {  	v57 =	vld [tilespmem:s30+$0x4070];
	(erf) = vpow2.f32 v38;
	v56 =	vadd.f32 v10, v8;
	v58 =	vadd.f32 v34, v9  }
0xab: {  	v45 =	vmul.f32 $1.442695020e+00, v61;
	(erf) = vpow2.f32 v62  }
0xac: {  	(erf) = vpow2.f32 v20;
	v20 =	vadd.f32 v54, v63;
	v38 =	vadd.f32 v58, v56  }
0xad: {  	v11 =	vmul.f32 $1.442695020e+00, v11;
	v40 =	vadd.f32 v13, v40;
	(erf) = vpow2.f32 v39  }
0xae: {  	v13 =	vmul.f32 $1.442695020e+00, v55;
	(erf) = vpow2.f32 v45;
	v20 =	vadd.f32 v38, v20  }
0xaf: {  	(erf) = vpow2.f32 v11;
	v11 =	vmul.f32 $1.442695020e+00, v57  }
0xb0: {  	s31 =	simm.s32 $0x100;
	(erf) = vpow2.f32 v13;
	v13 =	vperm.xlane v20, v0  }
0xb1: {  	v36 =	vadd.f32 v15, v36;
	v24 =	vmul.f32 v46, v24;
	v15 =	vld [tilespmem:s31+$0x4000];
	v59 =	vmul.f32 v46, v41  }
0xb2: {  	v19 =	vld [tilespmem:s31+$0x4010];
	(erf) = vpow2.f32 v11;
	v20 =	vadd.f32 v20, v13;
	v13 =	vmul.f32 v46, v21  }
0xb3: {  	v18 =	vadd.f32 v18, v32;
	v32 =	vadd.f32 v59, v14;
	v14 =	vmul.f32 v46, v17;
	v17 =	vld [tilespmem:s31+$0x4020]  }
0xb4: {  	v23 =	vmul.f32 v46, v23;
	v22 =	vmul.f32 v46, v22;
	v27 =	vadd.f32 v16, v27;
	v11 =	vpop (erf)  }
0xb5: {  	v16 =	vmul.f32 v46, v25;
	v25 =	vadd.f32 v14, v12;
	v12 =	vpop (erf);
	v61 =	vperm.xlane v20, v1  }
0xb6: {  	v30 =	vmul.f32 v43, v30;
	v62 =	vmul.f32 $1.442695020e+00, v15;
	v21 =	vld [tilespmem:s31+$0x4030];
	v35 =	vadd.f32 v13, v35;
	v13 =	vpop (erf)  }
0xb7: {  	v31 =	vmul.f32 v43, v31;
	v60 =	vld [tilespmem:s31+$0x4040];
	v63 =	vmul.f32 $1.442695020e+00, v19;
	v20 =	vadd.f32 v20, v61;
	v14 =	vpop (erf)  }
0xb8: {  	v36 =	vadd.f32 v24, v36;
	v52 =	vmul.f32 $1.442695020e+00, v17;
	(erf) = vpow2.f32 v62;
	v15 =	vpop (erf)  }
0xb9: {  	v24 =	vld [tilespmem:s31+$0x4050];
	v39 =	vadd.f32 v16, v40;
	(erf) = vpow2.f32 v63;
	v53 =	vperm.xlane v20, v2;
	v16 =	vpop (erf)  }
0xba: {  	v49 =	vadd.f32 v23, v37;
	v56 =	vld [tilespmem:s31+$0x4060];
	(erf) = vpow2.f32 v52;
	v54 =	vadd.f32 v12, v11;
	v17 =	vpop (erf)  }
0xbb: {  	v58 =	vld [tilespmem:s31+$0x4070];
	v21 =	vmul.f32 $1.442695020e+00, v21;
	v55 =	vadd.f32 v14, v13;
	v20 =	vadd.f32 v20, v53;
	v19 =	vpop (erf)  }
0xbc: {  	v38 =	vmul.f32 $1.442695020e+00, v60;
	v57 =	vadd.f32 v16, v15;
	v59 =	vadd.f32 v19, v17  }
0xbd: {  	v63 =	vadd.f32 v22, v18;
	(erf) = vpow2.f32 v21;
	v21 =	vperm.xlane v20, v3  }
0xbe: {  	v23 =	vmul.f32 $1.442695020e+00, v24;
	v24 =	vadd.f32 v55, v54;
	v60 =	vadd.f32 v59, v57  }
0xbf: {  	s17 =	simm.s32 $0x180;
	v62 =	vmul.f32 $1.442695020e+00, v56;
	(erf) = vpow2.f32 v38;
	v20 =	vadd.f32 v20, v21  }
0xc0: {  	v52 =	vld [tilespmem:s17+$0x4010];
	v18 =	vmul.f32 $1.442695020e+00, v58;
	(erf) = vpow2.f32 v23;
	v23 =	vadd.f32 v60, v24  }
0xc1: {  	v61 =	vmul.f32 v43, v42;
	(erf) = vrcp.f32 v20  }
0xc2: {  	v58 =	vld [tilespmem:s17+$0x4050];
	(erf) = vpow2.f32 v62;
	v54 =	vperm.xlane v23, v0  }
0xc3: {  	v53 =	vld [tilespmem:s17+$0x4020];
	v24 =	vadd.f32 v61, v27;
	v27 =	vmul.f32 v43, v33;
	(erf) = vpow2.f32 v18  }
0xc4: {  	v41 =	vmul.f32 v43, v44;
	v31 =	vadd.f32 v31, v39;
	v21 =	vld [tilespmem:s17+$0x4000];
	v20 =	vpop (erf);
	v38 =	vadd.f32 v23, v54  }
0xc5: {  	v56 =	vld [tilespmem:s17+$0x4040];
	v39 =	vmul.f32 $1.442695020e+00, v52;
	v27 =	vadd.f32 v27, v25;
	v25 =	vmul.f32 v43, v28;
	v18 =	vpop (erf)  }
0xc6: {  	v22 =	vadd.f32 v41, v32;
	v57 =	vmul.f32 v43, v29;
	v23 =	vpop (erf);
	v60 =	vperm.xlane v38, v1  }
0xc7: {  	v55 =	vld [tilespmem:s17+$0x4030];
	v29 =	vadd.f32 v30, v35;
	v59 =	vmul.f32 v43, v26;
	v35 =	vmul.f32 $1.442695020e+00, v58;
	v28 =	vpop (erf)  }
0xc8: {  	v37 =	vmul.f32 $1.442695020e+00, v53;
	v32 =	vadd.f32 v57, v49;
	v26 =	vpop (erf);
	v62 =	vadd.f32 v38, v60  }
0xc9: {  	v33 =	vadd.f32 v59, v63;
	v61 =	vmul.f32 $1.442695020e+00, v21;
	v30 =	vadd.f32 v25, v36;
	v25 =	vpop (erf)  }
0xca: {  	v36 =	vmul.f32 $1.442695020e+00, v56;
	v43 =	vadd.f32 v18, v20;
	v42 =	vpop (erf);
	v63 =	vperm.xlane v62, v2  }
0xcb: {  	(erf) = vpow2.f32 v61;
	v46 =	vadd.f32 v28, v23;
	v21 =	vpop (erf);
	v45 =	vmul.f32 v42, v34  }
0xcc: {  	s18 =	simm.s32 $0x800;
	v38 =	vmul.f32 $1.442695020e+00, v55;
	v47 =	vadd.f32 v25, v26;
	v34 =	vld [tilespmem:s17+$0x4060];
	v40 =	vpop (erf);
	v41 =	vadd.f32 v62, v63  }
.LBB2_4:
0xcd: {  	(erf) = vpow2.f32 v39;
	v39 =	vadd.f32 v40, v21;
	v22 =	vadd.f32 v45, v22;
	v45 =	vmovc v4;
	v4 =	vmovc v13  }
0xce: {  	p0 =	sne.s32 s18, $0xFE00;
	v44 =	vld [tilespmem:s17+$0x4070];
	v13 =	vmovc v23;
	v23 =	vmovc v6;
	v6 =	vmov v14;
	v14 =	vmov v28;
	v28 =	vmov v8  }
0xcf: {  	v8 =	vmovc v15;
	v15 =	vmovc v26;
	v26 =	vmov v10;
	(erf) = vpow2.f32 v37;
	v37 =	vperm.xlane v41, v3  }
0xd0: {  	v10 =	vmovc v16;
	v16 =	vmovc v25;
	(erf) = vpow2.f32 v38;
	v38 =	vadd.f32 v46, v43;
	v39 =	vadd.f32 v39, v47  }
0xd1: {  	s17 =	sshra.s32 s18, $0x2;
	(erf) = vpow2.f32 v36;
	v25 =	vadd.f32 v41, v37;
	v36 =	vmul.f32 v42, v5;
	v5 =	vmovc v11;
	v11 =	vmovc v20  }
0xd2: {  	v37 =	vld [tilespmem:s17+$0x4000];
	v20 =	vmul.f32 $1.442695020e+00, v34;
	(erf) = vpow2.f32 v35;
	v34 =	vadd.f32 v39, v38;
	v35 =	vmovc v9;
	v9 =	vmovc v17  }
0xd3: {  	v41 =	vmovc v19;
	v17 =	vmovc v21;
	v38 =	vld [tilespmem:s17+$0x4010];
	v39 =	vmul.f32 $1.442695020e+00, v44;
	(erf) = vrcp.f32 v25;
	v24 =	vadd.f32 v36, v24  }
0xd4: {  	v19 =	vmov v40;
	v21 =	vld [tilespmem:s17+$0x4020];
	(erf) = vpow2.f32 v20;
	v25 =	vperm.xlane v34, v0  }
0xd5: {  	v36 =	vld [tilespmem:s17+$0x4030];
	(erf) = vpow2.f32 v39;
	v39 =	vmul.f32 v42, v7;
	v7 =	vmovc v12;
	v12 =	vmov v18  }
0xd6: {  	v43 =	vmul.f32 v42, v23;
	v40 =	vld [tilespmem:s17+$0x4040];
	v20 =	vpop (erf);
	v25 =	vadd.f32 v34, v25;
	v34 =	vmul.f32 v42, v45  }
0xd7: {  	v45 =	vmul.f32 v42, v26;
	v44 =	vld [tilespmem:s17+$0x4050];
	v18 =	vpop (erf);
	v27 =	vadd.f32 v39, v27;
	v39 =	vmul.f32 v42, v28  }
0xd8: {  	v23 =	vpop (erf);
	v46 =	vperm.xlane v25, v1;
	v29 =	vadd.f32 v34, v29;
	v34 =	vmul.f32 v42, v35  }
0xd9: {  	v31 =	vadd.f32 v43, v31;
	v47 =	vmul.f32 $1.442695020e+00, v37;
	v28 =	vpop (erf);
	v30 =	vadd.f32 v39, v30  }
.Ltmp1:
0xda: {  	v39 =	vmul.f32 $1.442695020e+00, v38;
	v37 =	vmul.f32 $1.442695020e+00, v21;
	v26 =	vpop (erf);
	v48 =	vadd.f32 v25, v46;
	(pc) =	sbr.rel @p0 .LBB2_4-.Ltmp1, $4  }
0xdb: {  	v32 =	vadd.f32 v45, v32;
	v38 =	vmul.f32 $1.442695020e+00, v36;
	v36 =	vmul.f32 $1.442695020e+00, v40;
	v25 =	vpop (erf)  }
0xdc: {  	v33 =	vadd.f32 v34, v33;
	v35 =	vmul.f32 $1.442695020e+00, v44;
	v44 =	vperm.xlane v48, v2;
	v42 =	vpop (erf)  }
0xdd: {  	v43 =	vadd.f32 v18, v20;
	v46 =	vadd.f32 v28, v23;
	v21 =	vpop (erf);
	v45 =	vmul.f32 v42, v41  }
0xde: {  	s18 =	sadd.s32 $0x200, s18;
	v34 =	vld [tilespmem:s17+$0x4060];
	(erf) = vpow2.f32 v47;
	v47 =	vadd.f32 v25, v26;
	v40 =	vpop (erf);
	v41 =	vadd.f32 v48, v44  }
0xdf: {  	v44 =	vld [tilespmem:s17+$0x4070];
	(erf) = vpow2.f32 v39  }
0xe0: {  	(erf) = vpow2.f32 v37;
	v59 =	vperm.xlane v41, v3  }
0xe1: {  	(erf) = vpow2.f32 v38  }
0xe2: {  	(erf) = vpow2.f32 v36;
	v60 =	vadd.f32 v41, v59  }
0xe3: {  	v34 =	vmul.f32 $1.442695020e+00, v34;
	(erf) = vpow2.f32 v35  }
0xe4: {  	v61 =	vmul.f32 $1.442695020e+00, v44;
	(erf) = vrcp.f32 v60  }
0xe5: {  	(erf) = vpow2.f32 v34  }
0xe6: {  	(erf) = vpow2.f32 v61  }
0xe7: {  	v41 =	vpop (erf)  }
0xe8: {  	v39 =	vpop (erf)  }
0xe9: {  	v37 =	vpop (erf)  }
0xea: {  	v38 =	vpop (erf)  }
0xeb: {  	v35 =	vpop (erf)  }
0xec: {  	v36 =	vpop (erf)  }
0xed: {  	v48 =	vpop (erf)  }
0xee: {  	v49 =	vadd.f32 v40, v21;
	v34 =	vpop (erf)  }
0xef: {  	v50 =	vadd.f32 v39, v41;
	v51 =	vadd.f32 v38, v37;
	v44 =	vpop (erf)  }
0xf0: {  	v52 =	vadd.f32 v36, v35;
	v53 =	vadd.f32 v44, v34  }
0xf1: {  	v43 =	vadd.f32 v46, v43;
	v62 =	vadd.f32 v49, v47  }
0xf2: {  	v63 =	vadd.f32 v51, v50;
	v54 =	vadd.f32 v53, v52  }
0xf3: {  	v43 =	vadd.f32 v62, v43  }
0xf4: {  	v55 =	vadd.f32 v54, v63  }
0xf5: {  	v56 =	vperm.xlane v43, v0  }
0xf6: {  	v49 =	vperm.xlane v55, v0  }
0xf7: {  	v43 =	vadd.f32 v43, v56  }
0xf8: {  	v46 =	vadd.f32 v55, v49  }
0xf9: {  	v47 =	vperm.xlane v43, v1  }
0xfa: {  	v49 =	vperm.xlane v46, v1  }
0xfb: {  	v43 =	vadd.f32 v43, v47  }
0xfc: {  	v46 =	vadd.f32 v46, v49  }
0xfd: {  	v47 =	vperm.xlane v43, v2  }
0xfe: {  	v49 =	vperm.xlane v46, v2  }
0xff: {  	v43 =	vadd.f32 v43, v47  }
0x100: {  	v46 =	vadd.f32 v46, v49  }
0x101: {  	v47 =	vperm.xlane v43, v3  }
0x102: {  	v49 =	vperm.xlane v46, v3  }
0x103: {  	v43 =	vadd.f32 v43, v47  }
0x104: {  	v46 =	vadd.f32 v46, v49  }
0x105: {  	(erf) = vrcp.f32 v43  }
0x106: {  	(erf) = vrcp.f32 v46;
	_ =	sdelay $0x7  }
0x107: {  	s28 =	simm.s32 $0x0;
	v46 =	vpop (erf)  }
0x108: {  	[tilespmem:s12], [sflag:$0x2] =	stream.linear.gather [hbm4b:s7+s28], $0x4000, $0x38;
	v43 =	vpop (erf);
	[tilespmem:$0x8080] =	vst v63  }
0x109: {  	_ =	swait.ge [sflag:s3], $0x4000  }
0x10a: {  	[sflag:s3] =	ssyncset.done $0x0  }
0x10b: {  	s29 =	simm.s32 $0x0;
	[sflag:s3] =	ssyncadd.s32 $0xFFFFC000  }
0x10c: {  	v57 =	vld [tilespmem:s29+$0x0]  }
0x10d: {  	v5 =	vmul.f32 v42, v5;
	v58 =	vld [tilespmem:s29+$0x10]  }
0x10e: {  	v7 =	vmul.f32 v42, v7;
	v59 =	vld [tilespmem:s29+$0x20]  }
0x10f: {  	v4 =	vmul.f32 v42, v4;
	v24 =	vadd.f32 v5, v24;
	v5 =	vmul.f32 v42, v6;
	v60 =	vld [tilespmem:s29+$0x30]  }
0x110: {  	v27 =	vadd.f32 v7, v27;
	v6 =	vmul.f32 v42, v8;
	v7 =	vmul.f32 v42, v10;
	v61 =	vld [tilespmem:s29+$0x40]  }
0x111: {  	v29 =	vadd.f32 v4, v29;
	v4 =	vmul.f32 v42, v9;
	v62 =	vld [tilespmem:s29+$0x50];
	v47 =	vmul.f32 $1.442695020e+00, v57  }
0x112: {  	v30 =	vadd.f32 v6, v30;
	v6 =	vmul.f32 v48, v19;
	v63 =	vld [tilespmem:s29+$0x60];
	v49 =	vmul.f32 $1.442695020e+00, v58  }
0x113: {  	v54 =	vld [tilespmem:s29+$0x70];
	v50 =	vmul.f32 $1.442695020e+00, v59;
	(erf) = vpow2.f32 v47  }
0x114: {  	v51 =	vmul.f32 $1.442695020e+00, v60;
	(erf) = vpow2.f32 v49  }
0x115: {  	v55 =	vmul.f32 $1.442695020e+00, v61;
	(erf) = vpow2.f32 v50  }
0x116: {  	v47 =	vmul.f32 $1.442695020e+00, v62;
	(erf) = vpow2.f32 v51  }
0x117: {  	s30 =	simm.s32 $0x80;
	v49 =	vmul.f32 $1.442695020e+00, v63;
	(erf) = vpow2.f32 v55  }
0x118: {  	v10 =	vld [tilespmem:s30+$0x0];
	v56 =	vmul.f32 $1.442695020e+00, v54;
	(erf) = vpow2.f32 v47  }
0x119: {  	v22 =	vadd.f32 v45, v22;
	v8 =	vmul.f32 v48, v11;
	v9 =	vld [tilespmem:s30+$0x10];
	(erf) = vpow2.f32 v49  }
0x11a: {  	v31 =	vadd.f32 v5, v31;
	v11 =	vmul.f32 v48, v12;
	v19 =	vld [tilespmem:s30+$0x20];
	(erf) = vpow2.f32 v56  }
0x11b: {  	v12 =	vadd.f32 v6, v22;
	v22 =	vadd.f32 v8, v24;
	v24 =	vld [tilespmem:s30+$0x30]  }
0x11c: {  	v13 =	vmul.f32 v48, v13;
	v27 =	vadd.f32 v11, v27;
	v11 =	vmul.f32 v48, v17;
	v17 =	vld [tilespmem:s30+$0x40];
	v5 =	vpop (erf)  }
0x11d: {  	v32 =	vadd.f32 v7, v32;
	v14 =	vmul.f32 v48, v14;
	v15 =	vmul.f32 v48, v15;
	v7 =	vpop (erf)  }
0x11e: {  	v33 =	vadd.f32 v4, v33;
	v16 =	vmul.f32 v48, v16;
	v26 =	vmul.f32 v46, v26;
	v4 =	vpop (erf)  }
0x11f: {  	v25 =	vmul.f32 v46, v25;
	v57 =	vmul.f32 $1.442695020e+00, v10;
	v6 =	vpop (erf)  }
0x120: {  	v58 =	vmul.f32 $1.442695020e+00, v9;
	v19 =	vmul.f32 $1.442695020e+00, v19;
	v8 =	vpop (erf)  }
0x121: {  	v13 =	vadd.f32 v13, v29;
	v29 =	vld [tilespmem:s30+$0x50];
	v24 =	vmul.f32 $1.442695020e+00, v24;
	v17 =	vmul.f32 $1.442695020e+00, v17;
	v10 =	vpop (erf)  }
0x122: {  	v31 =	vadd.f32 v14, v31;
	v55 =	vmul.f32 v46, v40;
	(erf) = vpow2.f32 v57;
	v9 =	vpop (erf)  }
0x123: {  	v61 =	vld [tilespmem:s30+$0x60];
	(erf) = vpow2.f32 v58;
	v59 =	vadd.f32 v7, v5;
	v60 =	vadd.f32 v6, v4;
	v45 =	vpop (erf)  }
0x124: {  	v63 =	vld [tilespmem:s30+$0x70];
	(erf) = vpow2.f32 v19;
	v62 =	vadd.f32 v10, v8;
	v54 =	vadd.f32 v45, v9  }
0x125: {  	(erf) = vpow2.f32 v24;
	v24 =	vadd.f32 v15, v30;
	v30 =	vadd.f32 v11, v33  }
0x126: {  	v14 =	vmul.f32 $1.442695020e+00, v29;
	v19 =	vadd.f32 v60, v59;
	v42 =	vadd.f32 v54, v62  }
0x127: {  	v11 =	vmul.f32 v46, v20;
	v20 =	vadd.f32 v55, v12;
	v12 =	vmul.f32 v46, v18  }
0x128: {  	(erf) = vpow2.f32 v17;
	v17 =	vmul.f32 $1.442695020e+00, v61;
	v19 =	vadd.f32 v42, v19  }
0x129: {  	s31 =	simm.s32 $0x100;
	(erf) = vpow2.f32 v14;
	v14 =	vmul.f32 $1.442695020e+00, v63  }
0x12a: {  	v29 =	vadd.f32 v16, v32;
	v15 =	vld [tilespmem:s31+$0x0];
	(erf) = vpow2.f32 v17;
	v16 =	vperm.xlane v19, v0  }
0x12b: {  	v21 =	vmul.f32 v46, v21;
	v18 =	vld [tilespmem:s31+$0x20];
	(erf) = vpow2.f32 v14  }
0x12c: {  	v56 =	vadd.f32 v11, v22;
	v22 =	vld [tilespmem:s31+$0x30];
	v14 =	vmul.f32 v46, v23;
	v16 =	vadd.f32 v19, v16  }
0x12d: {  	v41 =	vmul.f32 v43, v41;
	v57 =	vmul.f32 v43, v44;
	v17 =	vld [tilespmem:s31+$0x10];
	v11 =	vpop (erf)  }
0x12e: {  	v23 =	vadd.f32 v12, v27;
	v27 =	vld [tilespmem:s31+$0x40];
	v12 =	vpop (erf);
	v19 =	vmul.f32 v46, v28;
	v28 =	vperm.xlane v16, v1  }
0x12f: {  	v21 =	vadd.f32 v21, v30;
	v58 =	vmul.f32 $1.442695020e+00, v15;
	v33 =	vadd.f32 v14, v13;
	v13 =	vpop (erf)  }
0x130: {  	v30 =	vmul.f32 v43, v39;
	v18 =	vmul.f32 $1.442695020e+00, v18;
	v14 =	vpop (erf);
	v28 =	vadd.f32 v16, v28  }
0x131: {  	v22 =	vmul.f32 $1.442695020e+00, v22;
	(erf) = vpow2.f32 v58;
	v15 =	vpop (erf)  }
0x132: {  	s17 =	simm.s32 $0x180;
	v26 =	vadd.f32 v26, v24;
	v24 =	vld [tilespmem:s31+$0x50];
	v59 =	vmul.f32 $1.442695020e+00, v17;
	v16 =	vpop (erf);
	v60 =	vperm.xlane v28, v2  }
0x133: {  	v51 =	vld [tilespmem:s17+$0x10];
	v61 =	vadd.f32 v12, v11;
	v27 =	vmul.f32 $1.442695020e+00, v27;
	v62 =	vadd.f32 v14, v13;
	v17 =	vpop (erf)  }
0x134: {  	v63 =	vld [tilespmem:s31+$0x60];
	(erf) = vpow2.f32 v59;
	v31 =	vadd.f32 v19, v31;
	v19 =	vpop (erf);
	v28 =	vadd.f32 v28, v60  }
0x135: {  	v50 =	vld [tilespmem:s31+$0x70];
	(erf) = vpow2.f32 v18;
	v49 =	vadd.f32 v16, v15;
	v18 =	vadd.f32 v19, v17  }
0x136: {  	v25 =	vadd.f32 v25, v29;
	(erf) = vpow2.f32 v22;
	v22 =	vperm.xlane v28, v3  }
0x137: {  	v24 =	vmul.f32 $1.442695020e+00, v24;
	v29 =	vadd.f32 v62, v61;
	v18 =	vadd.f32 v18, v49  }
0x138: {  	v39 =	vmul.f32 $1.442695020e+00, v51;
	(erf) = vpow2.f32 v27;
	v22 =	vadd.f32 v28, v22  }
0x139: {  	v58 =	vld [tilespmem:s17+$0x50];
	v27 =	vmul.f32 $1.442695020e+00, v63;
	(erf) = vpow2.f32 v24;
	v18 =	vadd.f32 v18, v29  }
0x13a: {  	v52 =	vld [tilespmem:s17+$0x20];
	v29 =	vmul.f32 $1.442695020e+00, v50;
	(erf) = vrcp.f32 v22  }
0x13b: {  	v28 =	vld [tilespmem:s17+$0x0];
	(erf) = vpow2.f32 v27;
	v27 =	vperm.xlane v18, v0  }
0x13c: {  	v53 =	vld [tilespmem:s17+$0x30];
	v54 =	vmul.f32 v43, v38;
	v24 =	vadd.f32 v41, v56;
	(erf) = vpow2.f32 v29  }
0x13d: {  	v55 =	vld [tilespmem:s17+$0x40];
	v59 =	vmul.f32 v43, v34;
	v22 =	vadd.f32 v57, v20;
	v20 =	vpop (erf);
	v56 =	vadd.f32 v18, v27  }
0x13e: {  	v34 =	vmul.f32 $1.442695020e+00, v58;
	v57 =	vmul.f32 v43, v36;
	v18 =	vpop (erf)  }
0x13f: {  	v27 =	vadd.f32 v30, v23;
	v30 =	vmul.f32 v43, v35;
	v23 =	vpop (erf);
	v60 =	vperm.xlane v56, v1  }
0x140: {  	v31 =	vadd.f32 v54, v31;
	v36 =	vmul.f32 $1.442695020e+00, v52;
	v61 =	vmul.f32 $1.442695020e+00, v28;
	v28 =	vpop (erf)  }
0x141: {  	v29 =	vmul.f32 v43, v37;
	v30 =	vadd.f32 v30, v26;
	v26 =	vpop (erf);
	v62 =	vadd.f32 v56, v60  }
0x142: {  	v32 =	vadd.f32 v57, v25;
	v37 =	vmul.f32 $1.442695020e+00, v53;
	v35 =	vmul.f32 $1.442695020e+00, v55;
	v25 =	vpop (erf)  }
0x143: {  	v29 =	vadd.f32 v29, v33;
	v33 =	vadd.f32 v59, v21;
	v63 =	vperm.xlane v62, v2;
	v42 =	vpop (erf)  }
0x144: {  	v43 =	vadd.f32 v18, v20;
	v46 =	vadd.f32 v28, v23;
	v21 =	vpop (erf);
	v45 =	vmul.f32 v42, v45  }
0x145: {  	s18 =	simm.s32 $0x800;
	v38 =	vld [tilespmem:s17+$0x60];
	(erf) = vpow2.f32 v61;
	v47 =	vadd.f32 v25, v26;
	v40 =	vpop (erf);
	v41 =	vadd.f32 v62, v63  }
.LBB2_6:
0x146: {  	(erf) = vpow2.f32 v39;
	v39 =	vadd.f32 v40, v21;
	v22 =	vadd.f32 v45, v22;
	v45 =	vmovc v4;
	v4 =	vmovc v13  }
0x147: {  	p0 =	sne.s32 s18, $0xFE00;
	v44 =	vld [tilespmem:s17+$0x70];
	v13 =	vmovc v23;
	v23 =	vmovc v6;
	v6 =	vmov v14;
	v14 =	vmov v28;
	v28 =	vmov v8  }
0x148: {  	v8 =	vmovc v15;
	v15 =	vmovc v26;
	v26 =	vmov v10;
	(erf) = vpow2.f32 v36;
	v36 =	vperm.xlane v41, v3  }
0x149: {  	v43 =	vadd.f32 v46, v43;
	v10 =	vmovc v16;
	v16 =	vmovc v25;
	(erf) = vpow2.f32 v37;
	v39 =	vadd.f32 v39, v47  }
0x14a: {  	s17 =	sshra.s32 s18, $0x2;
	(erf) = vpow2.f32 v35;
	v25 =	vadd.f32 v41, v36;
	v35 =	vmul.f32 v42, v5;
	v5 =	vmovc v11;
	v11 =	vmovc v20  }
0x14b: {  	v37 =	vmovc v9;
	v9 =	vmovc v17;
	v36 =	vld [tilespmem:s17+$0x0];
	v20 =	vmul.f32 $1.442695020e+00, v38;
	(erf) = vpow2.f32 v34;
	v34 =	vadd.f32 v39, v43  }
0x14c: {  	v17 =	vmovc v21;
	v41 =	vmovc v19;
	v38 =	vld [tilespmem:s17+$0x10];
	v39 =	vmul.f32 $1.442695020e+00, v44;
	(erf) = vrcp.f32 v25;
	v24 =	vadd.f32 v35, v24  }
0x14d: {  	v19 =	vmov v40;
	v21 =	vld [tilespmem:s17+$0x20];
	(erf) = vpow2.f32 v20;
	v25 =	vperm.xlane v34, v0  }
0x14e: {  	v35 =	vld [tilespmem:s17+$0x30];
	(erf) = vpow2.f32 v39;
	v39 =	vmul.f32 v42, v7;
	v7 =	vmovc v12;
	v12 =	vmov v18  }
0x14f: {  	v43 =	vmul.f32 v42, v23;
	v40 =	vld [tilespmem:s17+$0x40];
	v20 =	vpop (erf);
	v25 =	vadd.f32 v34, v25;
	v34 =	vmul.f32 v42, v45  }
0x150: {  	v45 =	vmul.f32 v42, v26;
	v44 =	vld [tilespmem:s17+$0x50];
	v18 =	vpop (erf);
	v27 =	vadd.f32 v39, v27;
	v39 =	vmul.f32 v42, v28  }
0x151: {  	v47 =	vmul.f32 v42, v37;
	v23 =	vpop (erf);
	v46 =	vperm.xlane v25, v1;
	v29 =	vadd.f32 v34, v29  }
0x152: {  	v31 =	vadd.f32 v43, v31;
	v48 =	vmul.f32 $1.442695020e+00, v36;
	v28 =	vpop (erf);
	v30 =	vadd.f32 v39, v30  }
.Ltmp2:
0x153: {  	v39 =	vmul.f32 $1.442695020e+00, v38;
	v36 =	vmul.f32 $1.442695020e+00, v21;
	v26 =	vpop (erf);
	v49 =	vadd.f32 v25, v46;
	(pc) =	sbr.rel @p0 .LBB2_6-.Ltmp2, $4  }
0x154: {  	v32 =	vadd.f32 v45, v32;
	v37 =	vmul.f32 $1.442695020e+00, v35;
	v35 =	vmul.f32 $1.442695020e+00, v40;
	v25 =	vpop (erf)  }
0x155: {  	v33 =	vadd.f32 v47, v33;
	v34 =	vmul.f32 $1.442695020e+00, v44;
	v44 =	vperm.xlane v49, v2;
	v42 =	vpop (erf)  }
0x156: {  	v43 =	vadd.f32 v18, v20;
	v46 =	vadd.f32 v28, v23;
	v21 =	vpop (erf);
	v45 =	vmul.f32 v42, v41  }
0x157: {  	s18 =	sadd.s32 $0x200, s18;
	v47 =	vadd.f32 v25, v26;
	v38 =	vld [tilespmem:s17+$0x60];
	(erf) = vpow2.f32 v48;
	v40 =	vpop (erf);
	v41 =	vadd.f32 v49, v44  }
0x158: {  	v44 =	vld [tilespmem:s17+$0x70];
	(erf) = vpow2.f32 v39  }
0x159: {  	(erf) = vpow2.f32 v36;
	v58 =	vperm.xlane v41, v3  }
0x15a: {  	(erf) = vpow2.f32 v37  }
0x15b: {  	(erf) = vpow2.f32 v35;
	v59 =	vadd.f32 v41, v58  }
0x15c: {  	v60 =	vmul.f32 $1.442695020e+00, v38;
	(erf) = vpow2.f32 v34  }
0x15d: {  	v61 =	vmul.f32 $1.442695020e+00, v44;
	(erf) = vrcp.f32 v59  }
0x15e: {  	(erf) = vpow2.f32 v60  }
0x15f: {  	(erf) = vpow2.f32 v61  }
0x160: {  	v41 =	vpop (erf)  }
0x161: {  	v39 =	vpop (erf)  }
0x162: {  	v37 =	vpop (erf)  }
0x163: {  	v38 =	vpop (erf)  }
0x164: {  	v35 =	vpop (erf)  }
0x165: {  	v36 =	vpop (erf)  }
0x166: {  	v48 =	vpop (erf)  }
0x167: {  	v49 =	vadd.f32 v40, v21;
	v34 =	vpop (erf)  }
0x168: {  	v50 =	vadd.f32 v39, v41;
	v51 =	vadd.f32 v38, v37;
	v44 =	vpop (erf)  }
0x169: {  	v52 =	vadd.f32 v36, v35;
	v53 =	vadd.f32 v44, v34  }
0x16a: {  	v43 =	vadd.f32 v46, v43;
	v62 =	vadd.f32 v49, v47  }
0x16b: {  	v63 =	vadd.f32 v51, v50;
	v54 =	vadd.f32 v53, v52  }
0x16c: {  	v43 =	vadd.f32 v62, v43  }
0x16d: {  	v55 =	vadd.f32 v54, v63  }
0x16e: {  	v56 =	vperm.xlane v43, v0  }
0x16f: {  	v49 =	vperm.xlane v55, v0  }
0x170: {  	v43 =	vadd.f32 v43, v56  }
0x171: {  	v46 =	vadd.f32 v55, v49  }
0x172: {  	v47 =	vperm.xlane v43, v1  }
0x173: {  	v49 =	vperm.xlane v46, v1  }
0x174: {  	v43 =	vadd.f32 v43, v47  }
0x175: {  	v46 =	vadd.f32 v46, v49  }
0x176: {  	v47 =	vperm.xlane v43, v2  }
0x177: {  	v49 =	vperm.xlane v46, v2  }
0x178: {  	v43 =	vadd.f32 v43, v47  }
0x179: {  	v46 =	vadd.f32 v46, v49  }
0x17a: {  	v47 =	vperm.xlane v43, v3  }
0x17b: {  	v49 =	vperm.xlane v46, v3  }
0x17c: {  	v43 =	vadd.f32 v43, v47  }
0x17d: {  	v46 =	vadd.f32 v46, v49  }
0x17e: {  	(erf) = vrcp.f32 v43  }
0x17f: {  	(erf) = vrcp.f32 v46;
	_ =	sdelay $0x7  }
0x180: {  	s28 =	simm.s32 $0x0;
	v46 =	vpop (erf)  }
0x181: {  	[tilespmem:s28], [sflag:$0x1] =	stream.linear.gather [hbm4b:s8+s28], $0x4000, $0x38;
	v43 =	vpop (erf);
	[tilespmem:$0x8080] =	vst v63  }
0x182: {  	_ =	swait.ge [sflag:s13], $0x4000  }
0x183: {  	[sflag:s13] =	ssyncset.done $0x0  }
0x184: {  	s29 =	simm.s32 $0x0;
	[sflag:s13] =	ssyncadd.s32 $0xFFFFC000  }
0x185: {  	v57 =	vld [tilespmem:s29+$0x4000]  }
0x186: {  	v5 =	vmul.f32 v42, v5;
	v58 =	vld [tilespmem:s29+$0x4010]  }
0x187: {  	v7 =	vmul.f32 v42, v7;
	v59 =	vld [tilespmem:s29+$0x4020]  }
0x188: {  	v4 =	vmul.f32 v42, v4;
	v24 =	vadd.f32 v5, v24;
	v5 =	vmul.f32 v42, v6;
	v60 =	vld [tilespmem:s29+$0x4030]  }
0x189: {  	v27 =	vadd.f32 v7, v27;
	v6 =	vmul.f32 v42, v8;
	v7 =	vmul.f32 v42, v10;
	v61 =	vld [tilespmem:s29+$0x4040]  }
0x18a: {  	v29 =	vadd.f32 v4, v29;
	v4 =	vmul.f32 v42, v9;
	v62 =	vld [tilespmem:s29+$0x4050];
	v47 =	vmul.f32 $1.442695020e+00, v57  }
0x18b: {  	v30 =	vadd.f32 v6, v30;
	v6 =	vmul.f32 v48, v19;
	v63 =	vld [tilespmem:s29+$0x4060];
	v49 =	vmul.f32 $1.442695020e+00, v58  }
0x18c: {  	v54 =	vld [tilespmem:s29+$0x4070];
	v50 =	vmul.f32 $1.442695020e+00, v59;
	(erf) = vpow2.f32 v47  }
0x18d: {  	v51 =	vmul.f32 $1.442695020e+00, v60;
	(erf) = vpow2.f32 v49  }
0x18e: {  	v55 =	vmul.f32 $1.442695020e+00, v61;
	(erf) = vpow2.f32 v50  }
0x18f: {  	v47 =	vmul.f32 $1.442695020e+00, v62;
	(erf) = vpow2.f32 v51  }
0x190: {  	s30 =	simm.s32 $0x80;
	v49 =	vmul.f32 $1.442695020e+00, v63;
	(erf) = vpow2.f32 v55  }
0x191: {  	v10 =	vld [tilespmem:s30+$0x4000];
	v56 =	vmul.f32 $1.442695020e+00, v54;
	(erf) = vpow2.f32 v47  }
0x192: {  	v22 =	vadd.f32 v45, v22;
	v8 =	vmul.f32 v48, v11;
	v9 =	vld [tilespmem:s30+$0x4010];
	(erf) = vpow2.f32 v49  }
0x193: {  	v31 =	vadd.f32 v5, v31;
	v11 =	vmul.f32 v48, v12;
	v19 =	vld [tilespmem:s30+$0x4020];
	(erf) = vpow2.f32 v56  }
0x194: {  	v12 =	vadd.f32 v6, v22;
	v22 =	vadd.f32 v8, v24;
	v24 =	vld [tilespmem:s30+$0x4030]  }
0x195: {  	v13 =	vmul.f32 v48, v13;
	v27 =	vadd.f32 v11, v27;
	v11 =	vmul.f32 v48, v17;
	v17 =	vld [tilespmem:s30+$0x4040];
	v5 =	vpop (erf)  }
0x196: {  	v32 =	vadd.f32 v7, v32;
	v14 =	vmul.f32 v48, v14;
	v15 =	vmul.f32 v48, v15;
	v7 =	vpop (erf)  }
0x197: {  	v33 =	vadd.f32 v4, v33;
	v16 =	vmul.f32 v48, v16;
	v26 =	vmul.f32 v46, v26;
	v4 =	vpop (erf)  }
0x198: {  	v25 =	vmul.f32 v46, v25;
	v57 =	vmul.f32 $1.442695020e+00, v10;
	v6 =	vpop (erf)  }
0x199: {  	v58 =	vmul.f32 $1.442695020e+00, v9;
	v19 =	vmul.f32 $1.442695020e+00, v19;
	v8 =	vpop (erf)  }
0x19a: {  	v13 =	vadd.f32 v13, v29;
	v29 =	vld [tilespmem:s30+$0x4050];
	v24 =	vmul.f32 $1.442695020e+00, v24;
	v17 =	vmul.f32 $1.442695020e+00, v17;
	v10 =	vpop (erf)  }
0x19b: {  	v31 =	vadd.f32 v14, v31;
	v55 =	vmul.f32 v46, v40;
	(erf) = vpow2.f32 v57;
	v9 =	vpop (erf)  }
0x19c: {  	v61 =	vld [tilespmem:s30+$0x4060];
	(erf) = vpow2.f32 v58;
	v59 =	vadd.f32 v7, v5;
	v60 =	vadd.f32 v6, v4;
	v45 =	vpop (erf)  }
0x19d: {  	v63 =	vld [tilespmem:s30+$0x4070];
	(erf) = vpow2.f32 v19;
	v62 =	vadd.f32 v10, v8;
	v54 =	vadd.f32 v45, v9  }
0x19e: {  	(erf) = vpow2.f32 v24;
	v24 =	vadd.f32 v15, v30;
	v30 =	vadd.f32 v11, v33  }
0x19f: {  	v14 =	vmul.f32 $1.442695020e+00, v29;
	v19 =	vadd.f32 v60, v59;
	v42 =	vadd.f32 v54, v62  }
0x1a0: {  	v11 =	vmul.f32 v46, v20;
	v20 =	vadd.f32 v55, v12;
	v12 =	vmul.f32 v46, v18  }
0x1a1: {  	(erf) = vpow2.f32 v17;
	v17 =	vmul.f32 $1.442695020e+00, v61;
	v19 =	vadd.f32 v42, v19  }
0x1a2: {  	s31 =	simm.s32 $0x100;
	(erf) = vpow2.f32 v14;
	v14 =	vmul.f32 $1.442695020e+00, v63  }
0x1a3: {  	v29 =	vadd.f32 v16, v32;
	v15 =	vld [tilespmem:s31+$0x4000];
	(erf) = vpow2.f32 v17;
	v16 =	vperm.xlane v19, v0  }
0x1a4: {  	v21 =	vmul.f32 v46, v21;
	v18 =	vld [tilespmem:s31+$0x4020];
	(erf) = vpow2.f32 v14  }
0x1a5: {  	v56 =	vadd.f32 v11, v22;
	v22 =	vld [tilespmem:s31+$0x4030];
	v14 =	vmul.f32 v46, v23;
	v16 =	vadd.f32 v19, v16  }
0x1a6: {  	v41 =	vmul.f32 v43, v41;
	v57 =	vmul.f32 v43, v44;
	v17 =	vld [tilespmem:s31+$0x4010];
	v11 =	vpop (erf)  }
0x1a7: {  	v23 =	vadd.f32 v12, v27;
	v27 =	vld [tilespmem:s31+$0x4040];
	v12 =	vpop (erf);
	v19 =	vmul.f32 v46, v28;
	v28 =	vperm.xlane v16, v1  }
0x1a8: {  	v21 =	vadd.f32 v21, v30;
	v58 =	vmul.f32 $1.442695020e+00, v15;
	v33 =	vadd.f32 v14, v13;
	v13 =	vpop (erf)  }
0x1a9: {  	v30 =	vmul.f32 v43, v39;
	v18 =	vmul.f32 $1.442695020e+00, v18;
	v14 =	vpop (erf);
	v28 =	vadd.f32 v16, v28  }
0x1aa: {  	v22 =	vmul.f32 $1.442695020e+00, v22;
	(erf) = vpow2.f32 v58;
	v15 =	vpop (erf)  }
0x1ab: {  	s17 =	simm.s32 $0x180;
	v26 =	vadd.f32 v26, v24;
	v24 =	vld [tilespmem:s31+$0x4050];
	v59 =	vmul.f32 $1.442695020e+00, v17;
	v16 =	vpop (erf);
	v60 =	vperm.xlane v28, v2  }
0x1ac: {  	v51 =	vld [tilespmem:s17+$0x4010];
	v61 =	vadd.f32 v12, v11;
	v27 =	vmul.f32 $1.442695020e+00, v27;
	v62 =	vadd.f32 v14, v13;
	v17 =	vpop (erf)  }
0x1ad: {  	v63 =	vld [tilespmem:s31+$0x4060];
	(erf) = vpow2.f32 v59;
	v31 =	vadd.f32 v19, v31;
	v19 =	vpop (erf);
	v28 =	vadd.f32 v28, v60  }
0x1ae: {  	v50 =	vld [tilespmem:s31+$0x4070];
	(erf) = vpow2.f32 v18;
	v49 =	vadd.f32 v16, v15;
	v18 =	vadd.f32 v19, v17  }
0x1af: {  	v25 =	vadd.f32 v25, v29;
	(erf) = vpow2.f32 v22;
	v22 =	vperm.xlane v28, v3  }
0x1b0: {  	v24 =	vmul.f32 $1.442695020e+00, v24;
	v29 =	vadd.f32 v62, v61;
	v18 =	vadd.f32 v18, v49  }
0x1b1: {  	v39 =	vmul.f32 $1.442695020e+00, v51;
	(erf) = vpow2.f32 v27;
	v22 =	vadd.f32 v28, v22  }
0x1b2: {  	v58 =	vld [tilespmem:s17+$0x4050];
	v27 =	vmul.f32 $1.442695020e+00, v63;
	(erf) = vpow2.f32 v24;
	v18 =	vadd.f32 v18, v29  }
0x1b3: {  	v52 =	vld [tilespmem:s17+$0x4020];
	v29 =	vmul.f32 $1.442695020e+00, v50;
	(erf) = vrcp.f32 v22  }
0x1b4: {  	v28 =	vld [tilespmem:s17+$0x4000];
	(erf) = vpow2.f32 v27;
	v27 =	vperm.xlane v18, v0  }
0x1b5: {  	v53 =	vld [tilespmem:s17+$0x4030];
	v54 =	vmul.f32 v43, v38;
	v24 =	vadd.f32 v41, v56;
	(erf) = vpow2.f32 v29  }
0x1b6: {  	v55 =	vld [tilespmem:s17+$0x4040];
	v59 =	vmul.f32 v43, v34;
	v22 =	vadd.f32 v57, v20;
	v20 =	vpop (erf);
	v56 =	vadd.f32 v18, v27  }
0x1b7: {  	v34 =	vmul.f32 $1.442695020e+00, v58;
	v57 =	vmul.f32 v43, v36;
	v18 =	vpop (erf)  }
0x1b8: {  	v27 =	vadd.f32 v30, v23;
	v30 =	vmul.f32 v43, v35;
	v23 =	vpop (erf);
	v60 =	vperm.xlane v56, v1  }
0x1b9: {  	v31 =	vadd.f32 v54, v31;
	v36 =	vmul.f32 $1.442695020e+00, v52;
	v61 =	vmul.f32 $1.442695020e+00, v28;
	v28 =	vpop (erf)  }
0x1ba: {  	v29 =	vmul.f32 v43, v37;
	v30 =	vadd.f32 v30, v26;
	v26 =	vpop (erf);
	v62 =	vadd.f32 v56, v60  }
0x1bb: {  	v32 =	vadd.f32 v57, v25;
	v37 =	vmul.f32 $1.442695020e+00, v53;
	v35 =	vmul.f32 $1.442695020e+00, v55;
	v25 =	vpop (erf)  }
0x1bc: {  	v29 =	vadd.f32 v29, v33;
	v33 =	vadd.f32 v59, v21;
	v63 =	vperm.xlane v62, v2;
	v42 =	vpop (erf)  }
0x1bd: {  	v43 =	vadd.f32 v18, v20;
	v46 =	vadd.f32 v28, v23;
	v21 =	vpop (erf);
	v45 =	vmul.f32 v42, v45  }
0x1be: {  	s18 =	simm.s32 $0x800;
	v38 =	vld [tilespmem:s17+$0x4060];
	(erf) = vpow2.f32 v61;
	v47 =	vadd.f32 v25, v26;
	v40 =	vpop (erf);
	v41 =	vadd.f32 v62, v63  }
.LBB2_8:
0x1bf: {  	(erf) = vpow2.f32 v39;
	v39 =	vadd.f32 v40, v21;
	v22 =	vadd.f32 v45, v22;
	v45 =	vmovc v4;
	v4 =	vmovc v13  }
0x1c0: {  	p0 =	sne.s32 s18, $0xFE00;
	v44 =	vld [tilespmem:s17+$0x4070];
	v13 =	vmovc v23;
	v23 =	vmovc v6;
	v6 =	vmov v14;
	v14 =	vmov v28;
	v28 =	vmov v8  }
0x1c1: {  	v8 =	vmovc v15;
	v15 =	vmovc v26;
	v26 =	vmov v10;
	(erf) = vpow2.f32 v36;
	v36 =	vperm.xlane v41, v3  }
0x1c2: {  	v43 =	vadd.f32 v46, v43;
	v10 =	vmovc v16;
	v16 =	vmovc v25;
	(erf) = vpow2.f32 v37;
	v39 =	vadd.f32 v39, v47  }
0x1c3: {  	s17 =	sshra.s32 s18, $0x2;
	(erf) = vpow2.f32 v35;
	v25 =	vadd.f32 v41, v36;
	v35 =	vmul.f32 v42, v5;
	v5 =	vmovc v11;
	v11 =	vmovc v20  }
0x1c4: {  	v37 =	vmovc v9;
	v9 =	vmovc v17;
	v36 =	vld [tilespmem:s17+$0x4000];
	v20 =	vmul.f32 $1.442695020e+00, v38;
	(erf) = vpow2.f32 v34;
	v34 =	vadd.f32 v39, v43  }
0x1c5: {  	v17 =	vmovc v21;
	v41 =	vmovc v19;
	v38 =	vld [tilespmem:s17+$0x4010];
	v39 =	vmul.f32 $1.442695020e+00, v44;
	(erf) = vrcp.f32 v25;
	v24 =	vadd.f32 v35, v24  }
0x1c6: {  	v19 =	vmov v40;
	v21 =	vld [tilespmem:s17+$0x4020];
	(erf) = vpow2.f32 v20;
	v25 =	vperm.xlane v34, v0  }
0x1c7: {  	v35 =	vld [tilespmem:s17+$0x4030];
	(erf) = vpow2.f32 v39;
	v39 =	vmul.f32 v42, v7;
	v7 =	vmovc v12;
	v12 =	vmov v18  }
0x1c8: {  	v43 =	vmul.f32 v42, v23;
	v40 =	vld [tilespmem:s17+$0x4040];
	v20 =	vpop (erf);
	v25 =	vadd.f32 v34, v25;
	v34 =	vmul.f32 v42, v45  }
0x1c9: {  	v45 =	vmul.f32 v42, v26;
	v44 =	vld [tilespmem:s17+$0x4050];
	v18 =	vpop (erf);
	v27 =	vadd.f32 v39, v27;
	v39 =	vmul.f32 v42, v28  }
0x1ca: {  	v47 =	vmul.f32 v42, v37;
	v23 =	vpop (erf);
	v46 =	vperm.xlane v25, v1;
	v29 =	vadd.f32 v34, v29  }
0x1cb: {  	v31 =	vadd.f32 v43, v31;
	v48 =	vmul.f32 $1.442695020e+00, v36;
	v28 =	vpop (erf);
	v30 =	vadd.f32 v39, v30  }
.Ltmp3:
0x1cc: {  	v39 =	vmul.f32 $1.442695020e+00, v38;
	v36 =	vmul.f32 $1.442695020e+00, v21;
	v26 =	vpop (erf);
	v49 =	vadd.f32 v25, v46;
	(pc) =	sbr.rel @p0 .LBB2_8-.Ltmp3, $4  }
0x1cd: {  	v32 =	vadd.f32 v45, v32;
	v37 =	vmul.f32 $1.442695020e+00, v35;
	v35 =	vmul.f32 $1.442695020e+00, v40;
	v25 =	vpop (erf)  }
0x1ce: {  	v33 =	vadd.f32 v47, v33;
	v34 =	vmul.f32 $1.442695020e+00, v44;
	v44 =	vperm.xlane v49, v2;
	v42 =	vpop (erf)  }
0x1cf: {  	v43 =	vadd.f32 v18, v20;
	v46 =	vadd.f32 v28, v23;
	v21 =	vpop (erf);
	v45 =	vmul.f32 v42, v41  }
0x1d0: {  	s18 =	sadd.s32 $0x200, s18;
	v47 =	vadd.f32 v25, v26;
	v38 =	vld [tilespmem:s17+$0x4060];
	(erf) = vpow2.f32 v48;
	v40 =	vpop (erf);
	v41 =	vadd.f32 v49, v44  }
0x1d1: {  	v44 =	vld [tilespmem:s17+$0x4070];
	(erf) = vpow2.f32 v39  }
0x1d2: {  	(erf) = vpow2.f32 v36;
	v58 =	vperm.xlane v41, v3  }
0x1d3: {  	(erf) = vpow2.f32 v37  }
0x1d4: {  	(erf) = vpow2.f32 v35;
	v59 =	vadd.f32 v41, v58  }
0x1d5: {  	v60 =	vmul.f32 $1.442695020e+00, v38;
	(erf) = vpow2.f32 v34  }
0x1d6: {  	v61 =	vmul.f32 $1.442695020e+00, v44;
	(erf) = vrcp.f32 v59  }
0x1d7: {  	(erf) = vpow2.f32 v60  }
0x1d8: {  	(erf) = vpow2.f32 v61  }
0x1d9: {  	v41 =	vpop (erf)  }
0x1da: {  	v39 =	vpop (erf)  }
0x1db: {  	v37 =	vpop (erf)  }
0x1dc: {  	v38 =	vpop (erf)  }
0x1dd: {  	v35 =	vpop (erf)  }
0x1de: {  	v36 =	vpop (erf)  }
0x1df: {  	v48 =	vpop (erf)  }
0x1e0: {  	v49 =	vadd.f32 v40, v21;
	v34 =	vpop (erf)  }
0x1e1: {  	v50 =	vadd.f32 v39, v41;
	v51 =	vadd.f32 v38, v37;
	v44 =	vpop (erf)  }
0x1e2: {  	v52 =	vadd.f32 v36, v35;
	v53 =	vadd.f32 v44, v34  }
0x1e3: {  	v43 =	vadd.f32 v46, v43;
	v62 =	vadd.f32 v49, v47  }
0x1e4: {  	v63 =	vadd.f32 v51, v50;
	v54 =	vadd.f32 v53, v52  }
0x1e5: {  	v43 =	vadd.f32 v62, v43  }
0x1e6: {  	v55 =	vadd.f32 v54, v63  }
0x1e7: {  	v56 =	vperm.xlane v43, v0  }
0x1e8: {  	v49 =	vperm.xlane v55, v0  }
0x1e9: {  	v43 =	vadd.f32 v43, v56  }
0x1ea: {  	v46 =	vadd.f32 v55, v49  }
0x1eb: {  	v47 =	vperm.xlane v43, v1  }
0x1ec: {  	v49 =	vperm.xlane v46, v1  }
0x1ed: {  	v43 =	vadd.f32 v43, v47  }
0x1ee: {  	v46 =	vadd.f32 v46, v49  }
0x1ef: {  	v47 =	vperm.xlane v43, v2  }
0x1f0: {  	v49 =	vperm.xlane v46, v2  }
0x1f1: {  	v43 =	vadd.f32 v43, v47  }
0x1f2: {  	v46 =	vadd.f32 v46, v49  }
0x1f3: {  	v47 =	vperm.xlane v43, v3  }
0x1f4: {  	v49 =	vperm.xlane v46, v3  }
0x1f5: {  	v43 =	vadd.f32 v43, v47  }
0x1f6: {  	v46 =	vadd.f32 v46, v49  }
0x1f7: {  	(erf) = vrcp.f32 v43  }
0x1f8: {  	(erf) = vrcp.f32 v46;
	_ =	sdelay $0x7  }
0x1f9: {  	s28 =	simm.s32 $0x0;
	v46 =	vpop (erf)  }
0x1fa: {  	[tilespmem:s12], [sflag:$0x2] =	stream.linear.gather [hbm4b:s9+s28], $0x4000, $0x38;
	v43 =	vpop (erf);
	[tilespmem:$0x8080] =	vst v63  }
0x1fb: {  	_ =	swait.ge [sflag:s3], $0x4000  }
0x1fc: {  	[sflag:s3] =	ssyncset.done $0x0  }
0x1fd: {  	s29 =	simm.s32 $0x0;
	[sflag:s3] =	ssyncadd.s32 $0xFFFFC000  }
0x1fe: {  	v57 =	vld [tilespmem:s29+$0x0]  }
0x1ff: {  	v5 =	vmul.f32 v42, v5;
	v58 =	vld [tilespmem:s29+$0x10]  }
0x200: {  	v7 =	vmul.f32 v42, v7;
	v59 =	vld [tilespmem:s29+$0x20]  }
0x201: {  	v4 =	vmul.f32 v42, v4;
	v24 =	vadd.f32 v5, v24;
	v5 =	vmul.f32 v42, v6;
	v60 =	vld [tilespmem:s29+$0x30]  }
0x202: {  	v27 =	vadd.f32 v7, v27;
	v6 =	vmul.f32 v42, v8;
	v7 =	vmul.f32 v42, v10;
	v61 =	vld [tilespmem:s29+$0x40]  }
0x203: {  	v29 =	vadd.f32 v4, v29;
	v4 =	vmul.f32 v42, v9;
	v62 =	vld [tilespmem:s29+$0x50];
	v47 =	vmul.f32 $1.442695020e+00, v57  }
0x204: {  	v30 =	vadd.f32 v6, v30;
	v6 =	vmul.f32 v48, v19;
	v63 =	vld [tilespmem:s29+$0x60];
	v49 =	vmul.f32 $1.442695020e+00, v58  }
0x205: {  	v54 =	vld [tilespmem:s29+$0x70];
	v50 =	vmul.f32 $1.442695020e+00, v59;
	(erf) = vpow2.f32 v47  }
0x206: {  	v51 =	vmul.f32 $1.442695020e+00, v60;
	(erf) = vpow2.f32 v49  }
0x207: {  	v55 =	vmul.f32 $1.442695020e+00, v61;
	(erf) = vpow2.f32 v50  }
0x208: {  	v47 =	vmul.f32 $1.442695020e+00, v62;
	(erf) = vpow2.f32 v51  }
0x209: {  	s30 =	simm.s32 $0x80;
	v49 =	vmul.f32 $1.442695020e+00, v63;
	(erf) = vpow2.f32 v55  }
0x20a: {  	v10 =	vld [tilespmem:s30+$0x0];
	v56 =	vmul.f32 $1.442695020e+00, v54;
	(erf) = vpow2.f32 v47  }
0x20b: {  	v22 =	vadd.f32 v45, v22;
	v8 =	vmul.f32 v48, v11;
	v9 =	vld [tilespmem:s30+$0x10];
	(erf) = vpow2.f32 v49  }
0x20c: {  	v31 =	vadd.f32 v5, v31;
	v11 =	vmul.f32 v48, v12;
	v19 =	vld [tilespmem:s30+$0x20];
	(erf) = vpow2.f32 v56  }
0x20d: {  	v12 =	vadd.f32 v6, v22;
	v22 =	vadd.f32 v8, v24;
	v24 =	vld [tilespmem:s30+$0x30]  }
0x20e: {  	v13 =	vmul.f32 v48, v13;
	v27 =	vadd.f32 v11, v27;
	v11 =	vmul.f32 v48, v17;
	v17 =	vld [tilespmem:s30+$0x40];
	v5 =	vpop (erf)  }
0x20f: {  	v32 =	vadd.f32 v7, v32;
	v14 =	vmul.f32 v48, v14;
	v15 =	vmul.f32 v48, v15;
	v7 =	vpop (erf)  }
0x210: {  	v33 =	vadd.f32 v4, v33;
	v16 =	vmul.f32 v48, v16;
	v26 =	vmul.f32 v46, v26;
	v4 =	vpop (erf)  }
0x211: {  	v25 =	vmul.f32 v46, v25;
	v57 =	vmul.f32 $1.442695020e+00, v10;
	v6 =	vpop (erf)  }
0x212: {  	v58 =	vmul.f32 $1.442695020e+00, v9;
	v19 =	vmul.f32 $1.442695020e+00, v19;
	v8 =	vpop (erf)  }
0x213: {  	v13 =	vadd.f32 v13, v29;
	v29 =	vld [tilespmem:s30+$0x50];
	v24 =	vmul.f32 $1.442695020e+00, v24;
	v17 =	vmul.f32 $1.442695020e+00, v17;
	v10 =	vpop (erf)  }
0x214: {  	v31 =	vadd.f32 v14, v31;
	v55 =	vmul.f32 v46, v40;
	(erf) = vpow2.f32 v57;
	v9 =	vpop (erf)  }
0x215: {  	v61 =	vld [tilespmem:s30+$0x60];
	(erf) = vpow2.f32 v58;
	v59 =	vadd.f32 v7, v5;
	v60 =	vadd.f32 v6, v4;
	v45 =	vpop (erf)  }
0x216: {  	v63 =	vld [tilespmem:s30+$0x70];
	(erf) = vpow2.f32 v19;
	v62 =	vadd.f32 v10, v8;
	v54 =	vadd.f32 v45, v9  }
0x217: {  	(erf) = vpow2.f32 v24;
	v24 =	vadd.f32 v15, v30;
	v30 =	vadd.f32 v11, v33  }
0x218: {  	v14 =	vmul.f32 $1.442695020e+00, v29;
	v19 =	vadd.f32 v60, v59;
	v42 =	vadd.f32 v54, v62  }
0x219: {  	v11 =	vmul.f32 v46, v20;
	v20 =	vadd.f32 v55, v12;
	v12 =	vmul.f32 v46, v18  }
0x21a: {  	(erf) = vpow2.f32 v17;
	v17 =	vmul.f32 $1.442695020e+00, v61;
	v19 =	vadd.f32 v42, v19  }
0x21b: {  	s31 =	simm.s32 $0x100;
	(erf) = vpow2.f32 v14;
	v14 =	vmul.f32 $1.442695020e+00, v63  }
0x21c: {  	v29 =	vadd.f32 v16, v32;
	v15 =	vld [tilespmem:s31+$0x0];
	(erf) = vpow2.f32 v17;
	v16 =	vperm.xlane v19, v0  }
0x21d: {  	v21 =	vmul.f32 v46, v21;
	v18 =	vld [tilespmem:s31+$0x20];
	(erf) = vpow2.f32 v14  }
0x21e: {  	v56 =	vadd.f32 v11, v22;
	v22 =	vld [tilespmem:s31+$0x30];
	v14 =	vmul.f32 v46, v23;
	v16 =	vadd.f32 v19, v16  }
0x21f: {  	v41 =	vmul.f32 v43, v41;
	v57 =	vmul.f32 v43, v44;
	v17 =	vld [tilespmem:s31+$0x10];
	v11 =	vpop (erf)  }
0x220: {  	v23 =	vadd.f32 v12, v27;
	v27 =	vld [tilespmem:s31+$0x40];
	v12 =	vpop (erf);
	v19 =	vmul.f32 v46, v28;
	v28 =	vperm.xlane v16, v1  }
0x221: {  	v21 =	vadd.f32 v21, v30;
	v58 =	vmul.f32 $1.442695020e+00, v15;
	v33 =	vadd.f32 v14, v13;
	v13 =	vpop (erf)  }
0x222: {  	v30 =	vmul.f32 v43, v39;
	v18 =	vmul.f32 $1.442695020e+00, v18;
	v14 =	vpop (erf);
	v28 =	vadd.f32 v16, v28  }
0x223: {  	v22 =	vmul.f32 $1.442695020e+00, v22;
	(erf) = vpow2.f32 v58;
	v15 =	vpop (erf)  }
0x224: {  	s17 =	simm.s32 $0x180;
	v26 =	vadd.f32 v26, v24;
	v24 =	vld [tilespmem:s31+$0x50];
	v59 =	vmul.f32 $1.442695020e+00, v17;
	v16 =	vpop (erf);
	v60 =	vperm.xlane v28, v2  }
0x225: {  	v51 =	vld [tilespmem:s17+$0x10];
	v61 =	vadd.f32 v12, v11;
	v27 =	vmul.f32 $1.442695020e+00, v27;
	v62 =	vadd.f32 v14, v13;
	v17 =	vpop (erf)  }
0x226: {  	v63 =	vld [tilespmem:s31+$0x60];
	(erf) = vpow2.f32 v59;
	v31 =	vadd.f32 v19, v31;
	v19 =	vpop (erf);
	v28 =	vadd.f32 v28, v60  }
0x227: {  	v50 =	vld [tilespmem:s31+$0x70];
	(erf) = vpow2.f32 v18;
	v49 =	vadd.f32 v16, v15;
	v18 =	vadd.f32 v19, v17  }
0x228: {  	v25 =	vadd.f32 v25, v29;
	(erf) = vpow2.f32 v22;
	v22 =	vperm.xlane v28, v3  }
0x229: {  	v24 =	vmul.f32 $1.442695020e+00, v24;
	v29 =	vadd.f32 v62, v61;
	v18 =	vadd.f32 v18, v49  }
0x22a: {  	v39 =	vmul.f32 $1.442695020e+00, v51;
	(erf) = vpow2.f32 v27;
	v22 =	vadd.f32 v28, v22  }
0x22b: {  	v58 =	vld [tilespmem:s17+$0x50];
	v27 =	vmul.f32 $1.442695020e+00, v63;
	(erf) = vpow2.f32 v24;
	v18 =	vadd.f32 v18, v29  }
0x22c: {  	v52 =	vld [tilespmem:s17+$0x20];
	v29 =	vmul.f32 $1.442695020e+00, v50;
	(erf) = vrcp.f32 v22  }
0x22d: {  	v28 =	vld [tilespmem:s17+$0x0];
	(erf) = vpow2.f32 v27;
	v27 =	vperm.xlane v18, v0  }
0x22e: {  	v53 =	vld [tilespmem:s17+$0x30];
	v54 =	vmul.f32 v43, v38;
	v24 =	vadd.f32 v41, v56;
	(erf) = vpow2.f32 v29  }
0x22f: {  	v55 =	vld [tilespmem:s17+$0x40];
	v59 =	vmul.f32 v43, v34;
	v22 =	vadd.f32 v57, v20;
	v20 =	vpop (erf);
	v56 =	vadd.f32 v18, v27  }
0x230: {  	v34 =	vmul.f32 $1.442695020e+00, v58;
	v57 =	vmul.f32 v43, v36;
	v18 =	vpop (erf)  }
0x231: {  	v27 =	vadd.f32 v30, v23;
	v30 =	vmul.f32 v43, v35;
	v23 =	vpop (erf);
	v60 =	vperm.xlane v56, v1  }
0x232: {  	v31 =	vadd.f32 v54, v31;
	v36 =	vmul.f32 $1.442695020e+00, v52;
	v61 =	vmul.f32 $1.442695020e+00, v28;
	v28 =	vpop (erf)  }
0x233: {  	v29 =	vmul.f32 v43, v37;
	v30 =	vadd.f32 v30, v26;
	v26 =	vpop (erf);
	v62 =	vadd.f32 v56, v60  }
0x234: {  	v32 =	vadd.f32 v57, v25;
	v37 =	vmul.f32 $1.442695020e+00, v53;
	v35 =	vmul.f32 $1.442695020e+00, v55;
	v25 =	vpop (erf)  }
0x235: {  	v29 =	vadd.f32 v29, v33;
	v33 =	vadd.f32 v59, v21;
	v63 =	vperm.xlane v62, v2;
	v42 =	vpop (erf)  }
0x236: {  	v43 =	vadd.f32 v18, v20;
	v46 =	vadd.f32 v28, v23;
	v21 =	vpop (erf);
	v45 =	vmul.f32 v42, v45  }
0x237: {  	s18 =	simm.s32 $0x800;
	v38 =	vld [tilespmem:s17+$0x60];
	(erf) = vpow2.f32 v61;
	v47 =	vadd.f32 v25, v26;
	v40 =	vpop (erf);
	v41 =	vadd.f32 v62, v63  }
.LBB2_10:
0x238: {  	(erf) = vpow2.f32 v39;
	v39 =	vadd.f32 v40, v21;
	v22 =	vadd.f32 v45, v22;
	v45 =	vmovc v4;
	v4 =	vmovc v13  }
0x239: {  	p0 =	sne.s32 s18, $0xFE00;
	v44 =	vld [tilespmem:s17+$0x70];
	v13 =	vmovc v23;
	v23 =	vmovc v6;
	v6 =	vmov v14;
	v14 =	vmov v28;
	v28 =	vmov v8  }
0x23a: {  	v8 =	vmovc v15;
	v15 =	vmovc v26;
	v26 =	vmov v10;
	(erf) = vpow2.f32 v36;
	v36 =	vperm.xlane v41, v3  }
0x23b: {  	v43 =	vadd.f32 v46, v43;
	v10 =	vmovc v16;
	v16 =	vmovc v25;
	(erf) = vpow2.f32 v37;
	v39 =	vadd.f32 v39, v47  }
0x23c: {  	s17 =	sshra.s32 s18, $0x2;
	(erf) = vpow2.f32 v35;
	v25 =	vadd.f32 v41, v36;
	v35 =	vmul.f32 v42, v5;
	v5 =	vmovc v11;
	v11 =	vmovc v20  }
0x23d: {  	v37 =	vmovc v9;
	v9 =	vmovc v17;
	v36 =	vld [tilespmem:s17+$0x0];
	v20 =	vmul.f32 $1.442695020e+00, v38;
	(erf) = vpow2.f32 v34;
	v34 =	vadd.f32 v39, v43  }
0x23e: {  	v17 =	vmovc v21;
	v41 =	vmovc v19;
	v38 =	vld [tilespmem:s17+$0x10];
	v39 =	vmul.f32 $1.442695020e+00, v44;
	(erf) = vrcp.f32 v25;
	v24 =	vadd.f32 v35, v24  }
0x23f: {  	v19 =	vmov v40;
	v21 =	vld [tilespmem:s17+$0x20];
	(erf) = vpow2.f32 v20;
	v25 =	vperm.xlane v34, v0  }
0x240: {  	v35 =	vld [tilespmem:s17+$0x30];
	(erf) = vpow2.f32 v39;
	v39 =	vmul.f32 v42, v7;
	v7 =	vmovc v12;
	v12 =	vmov v18  }
0x241: {  	v43 =	vmul.f32 v42, v23;
	v40 =	vld [tilespmem:s17+$0x40];
	v20 =	vpop (erf);
	v25 =	vadd.f32 v34, v25;
	v34 =	vmul.f32 v42, v45  }
0x242: {  	v45 =	vmul.f32 v42, v26;
	v44 =	vld [tilespmem:s17+$0x50];
	v18 =	vpop (erf);
	v27 =	vadd.f32 v39, v27;
	v39 =	vmul.f32 v42, v28  }
0x243: {  	v47 =	vmul.f32 v42, v37;
	v23 =	vpop (erf);
	v46 =	vperm.xlane v25, v1;
	v29 =	vadd.f32 v34, v29  }
0x244: {  	v31 =	vadd.f32 v43, v31;
	v48 =	vmul.f32 $1.442695020e+00, v36;
	v28 =	vpop (erf);
	v30 =	vadd.f32 v39, v30  }
.Ltmp4:
0x245: {  	v39 =	vmul.f32 $1.442695020e+00, v38;
	v36 =	vmul.f32 $1.442695020e+00, v21;
	v26 =	vpop (erf);
	v49 =	vadd.f32 v25, v46;
	(pc) =	sbr.rel @p0 .LBB2_10-.Ltmp4, $4  }
0x246: {  	v32 =	vadd.f32 v45, v32;
	v37 =	vmul.f32 $1.442695020e+00, v35;
	v35 =	vmul.f32 $1.442695020e+00, v40;
	v25 =	vpop (erf)  }
0x247: {  	v33 =	vadd.f32 v47, v33;
	v34 =	vmul.f32 $1.442695020e+00, v44;
	v44 =	vperm.xlane v49, v2;
	v42 =	vpop (erf)  }
0x248: {  	v43 =	vadd.f32 v18, v20;
	v46 =	vadd.f32 v28, v23;
	v21 =	vpop (erf);
	v45 =	vmul.f32 v42, v41  }
0x249: {  	s18 =	sadd.s32 $0x200, s18;
	v47 =	vadd.f32 v25, v26;
	v38 =	vld [tilespmem:s17+$0x60];
	(erf) = vpow2.f32 v48;
	v40 =	vpop (erf);
	v41 =	vadd.f32 v49, v44  }
0x24a: {  	v44 =	vld [tilespmem:s17+$0x70];
	(erf) = vpow2.f32 v39  }
0x24b: {  	(erf) = vpow2.f32 v36;
	v58 =	vperm.xlane v41, v3  }
0x24c: {  	(erf) = vpow2.f32 v37  }
0x24d: {  	(erf) = vpow2.f32 v35;
	v59 =	vadd.f32 v41, v58  }
0x24e: {  	v60 =	vmul.f32 $1.442695020e+00, v38;
	(erf) = vpow2.f32 v34  }
0x24f: {  	v61 =	vmul.f32 $1.442695020e+00, v44;
	(erf) = vrcp.f32 v59  }
0x250: {  	(erf) = vpow2.f32 v60  }
0x251: {  	(erf) = vpow2.f32 v61  }
0x252: {  	v41 =	vpop (erf)  }
0x253: {  	v39 =	vpop (erf)  }
0x254: {  	v37 =	vpop (erf)  }
0x255: {  	v38 =	vpop (erf)  }
0x256: {  	v35 =	vpop (erf)  }
0x257: {  	v36 =	vpop (erf)  }
0x258: {  	v48 =	vpop (erf)  }
0x259: {  	v49 =	vadd.f32 v40, v21;
	v34 =	vpop (erf)  }
0x25a: {  	v50 =	vadd.f32 v39, v41;
	v51 =	vadd.f32 v38, v37;
	v44 =	vpop (erf)  }
0x25b: {  	v52 =	vadd.f32 v36, v35;
	v53 =	vadd.f32 v44, v34  }
0x25c: {  	v43 =	vadd.f32 v46, v43;
	v62 =	vadd.f32 v49, v47  }
0x25d: {  	v63 =	vadd.f32 v51, v50;
	v54 =	vadd.f32 v53, v52  }
0x25e: {  	v43 =	vadd.f32 v62, v43  }
0x25f: {  	v55 =	vadd.f32 v54, v63  }
0x260: {  	v56 =	vperm.xlane v43, v0  }
0x261: {  	v49 =	vperm.xlane v55, v0  }
0x262: {  	v43 =	vadd.f32 v43, v56  }
0x263: {  	v46 =	vadd.f32 v55, v49  }
0x264: {  	v47 =	vperm.xlane v43, v1  }
0x265: {  	v49 =	vperm.xlane v46, v1  }
0x266: {  	v43 =	vadd.f32 v43, v47  }
0x267: {  	v46 =	vadd.f32 v46, v49  }
0x268: {  	v47 =	vperm.xlane v43, v2  }
0x269: {  	v49 =	vperm.xlane v46, v2  }
0x26a: {  	v43 =	vadd.f32 v43, v47  }
0x26b: {  	v46 =	vadd.f32 v46, v49  }
0x26c: {  	v47 =	vperm.xlane v43, v3  }
0x26d: {  	v49 =	vperm.xlane v46, v3  }
0x26e: {  	v43 =	vadd.f32 v43, v47  }
0x26f: {  	v46 =	vadd.f32 v46, v49  }
0x270: {  	(erf) = vrcp.f32 v43  }
0x271: {  	(erf) = vrcp.f32 v46;
	_ =	sdelay $0x7  }
0x272: {  	v46 =	vpop (erf)  }
0x273: {  	v43 =	vpop (erf)  }
0x274: {  	_ =	swait.ge [sflag:s13], $0x4000  }
0x275: {  	[sflag:s13] =	ssyncset.done $0x0  }
0x276: {  	s29 =	simm.s32 $0x0;
	[sflag:s13] =	ssyncadd.s32 $0xFFFFC000  }
0x277: {  	v57 =	vld [tilespmem:s29+$0x4000]  }
0x278: {  	v58 =	vld [tilespmem:s29+$0x4010]  }
0x279: {  	v5 =	vmul.f32 v42, v5;
	v59 =	vld [tilespmem:s29+$0x4020]  }
0x27a: {  	v7 =	vmul.f32 v42, v7;
	v4 =	vmul.f32 v42, v4;
	v60 =	vld [tilespmem:s29+$0x4030]  }
0x27b: {  	v24 =	vadd.f32 v5, v24;
	v5 =	vmul.f32 v42, v6;
	v6 =	vmul.f32 v42, v8;
	v61 =	vld [tilespmem:s29+$0x4040]  }
0x27c: {  	v27 =	vadd.f32 v7, v27;
	v7 =	vmul.f32 v42, v10;
	v62 =	vld [tilespmem:s29+$0x4050];
	v47 =	vmul.f32 $1.442695020e+00, v57  }
0x27d: {  	v8 =	vmul.f32 v42, v9;
	v63 =	vld [tilespmem:s29+$0x4060];
	v49 =	vmul.f32 $1.442695020e+00, v58  }
0x27e: {  	v54 =	vld [tilespmem:s29+$0x4070];
	v50 =	vmul.f32 $1.442695020e+00, v59;
	(erf) = vpow2.f32 v47  }
0x27f: {  	v51 =	vmul.f32 $1.442695020e+00, v60;
	(erf) = vpow2.f32 v49  }
0x280: {  	v55 =	vmul.f32 $1.442695020e+00, v61;
	(erf) = vpow2.f32 v50  }
0x281: {  	v47 =	vmul.f32 $1.442695020e+00, v62;
	(erf) = vpow2.f32 v51  }
0x282: {  	v49 =	vmul.f32 $1.442695020e+00, v63;
	(erf) = vpow2.f32 v55  }
0x283: {  	v22 =	vadd.f32 v45, v22;
	s30 =	simm.s32 $0x80;
	v56 =	vmul.f32 $1.442695020e+00, v54;
	(erf) = vpow2.f32 v47  }
0x284: {  	v32 =	vadd.f32 v7, v32;
	v7 =	vmul.f32 v48, v19;
	v10 =	vld [tilespmem:s30+$0x4000];
	(erf) = vpow2.f32 v49  }
0x285: {  	v33 =	vadd.f32 v8, v33;
	v8 =	vmul.f32 v48, v11;
	v9 =	vld [tilespmem:s30+$0x4010];
	(erf) = vpow2.f32 v56  }
0x286: {  	v29 =	vadd.f32 v4, v29;
	v31 =	vadd.f32 v5, v31;
	v11 =	vmul.f32 v48, v12;
	v19 =	vld [tilespmem:s30+$0x4020]  }
0x287: {  	v13 =	vmul.f32 v48, v13;
	v12 =	vadd.f32 v7, v22;
	v22 =	vadd.f32 v8, v24;
	v24 =	vld [tilespmem:s30+$0x4030];
	v4 =	vpop (erf)  }
0x288: {  	v14 =	vmul.f32 v48, v14;
	v27 =	vadd.f32 v11, v27;
	v11 =	vmul.f32 v48, v17;
	v17 =	vld [tilespmem:s30+$0x4040];
	v5 =	vpop (erf)  }
0x289: {  	v30 =	vadd.f32 v6, v30;
	v15 =	vmul.f32 v48, v15;
	v16 =	vmul.f32 v48, v16;
	v6 =	vpop (erf)  }
0x28a: {  	v26 =	vmul.f32 v46, v26;
	v57 =	vmul.f32 $1.442695020e+00, v10;
	v7 =	vpop (erf)  }
0x28b: {  	v58 =	vmul.f32 $1.442695020e+00, v9;
	v19 =	vmul.f32 $1.442695020e+00, v19;
	v8 =	vpop (erf)  }
0x28c: {  	v13 =	vadd.f32 v13, v29;
	v29 =	vld [tilespmem:s30+$0x4050];
	v24 =	vmul.f32 $1.442695020e+00, v24;
	v54 =	vmul.f32 v46, v40;
	v10 =	vpop (erf)  }
0x28d: {  	v31 =	vadd.f32 v14, v31;
	v17 =	vmul.f32 $1.442695020e+00, v17;
	(erf) = vpow2.f32 v57;
	v9 =	vpop (erf)  }
0x28e: {  	v61 =	vld [tilespmem:s30+$0x4060];
	(erf) = vpow2.f32 v58;
	v59 =	vadd.f32 v5, v4;
	v60 =	vadd.f32 v7, v6;
	v42 =	vpop (erf)  }
0x28f: {  	v63 =	vld [tilespmem:s30+$0x4070];
	(erf) = vpow2.f32 v19;
	v62 =	vadd.f32 v10, v8;
	v53 =	vadd.f32 v42, v9  }
0x290: {  	(erf) = vpow2.f32 v24;
	v24 =	vadd.f32 v15, v30;
	v30 =	vadd.f32 v11, v33  }
0x291: {  	v14 =	vmul.f32 $1.442695020e+00, v29;
	v19 =	vadd.f32 v60, v59;
	v45 =	vadd.f32 v53, v62  }
0x292: {  	v11 =	vmul.f32 v46, v20;
	v20 =	vadd.f32 v54, v12;
	v12 =	vmul.f32 v46, v18  }
0x293: {  	(erf) = vpow2.f32 v17;
	v17 =	vmul.f32 $1.442695020e+00, v61;
	v19 =	vadd.f32 v45, v19  }
0x294: {  	s31 =	simm.s32 $0x100;
	(erf) = vpow2.f32 v14;
	v14 =	vmul.f32 $1.442695020e+00, v63  }
0x295: {  	v29 =	vadd.f32 v16, v32;
	v15 =	vld [tilespmem:s31+$0x4000];
	(erf) = vpow2.f32 v17;
	v16 =	vperm.xlane v19, v0  }
0x296: {  	v25 =	vmul.f32 v46, v25;
	v18 =	vld [tilespmem:s31+$0x4020];
	(erf) = vpow2.f32 v14  }
0x297: {  	v21 =	vmul.f32 v46, v21;
	v17 =	vld [tilespmem:s31+$0x4010];
	v14 =	vmul.f32 v46, v23;
	v16 =	vadd.f32 v19, v16  }
0x298: {  	v52 =	vadd.f32 v25, v29;
	v29 =	vmul.f32 v43, v41;
	v23 =	vld [tilespmem:s31+$0x4030];
	v19 =	vadd.f32 v11, v22;
	v11 =	vpop (erf)  }
0x299: {  	v56 =	vmul.f32 v43, v44;
	v27 =	vadd.f32 v12, v27;
	v12 =	vpop (erf);
	v55 =	vperm.xlane v16, v1  }
0x29a: {  	v57 =	vmul.f32 $1.442695020e+00, v15;
	v33 =	vadd.f32 v14, v13;
	v22 =	vmul.f32 v46, v28;
	v28 =	vld [tilespmem:s31+$0x4040];
	v13 =	vpop (erf)  }
0x29b: {  	v58 =	vmul.f32 $1.442695020e+00, v18;
	v46 =	vadd.f32 v26, v24;
	v24 =	vld [tilespmem:s31+$0x4050];
	v14 =	vpop (erf);
	v32 =	vadd.f32 v16, v55  }
0x29c: {  	s17 =	simm.s32 $0x180;
	(erf) = vpow2.f32 v57;
	v31 =	vadd.f32 v22, v31;
	v22 =	vmul.f32 $1.442695020e+00, v17;
	v15 =	vpop (erf)  }
0x29d: {  	v54 =	vld [tilespmem:s17+$0x4020];
	v23 =	vmul.f32 $1.442695020e+00, v23;
	v16 =	vpop (erf);
	v26 =	vperm.xlane v32, v2  }
0x29e: {  	v61 =	vld [tilespmem:s31+$0x4060];
	v59 =	vadd.f32 v12, v11;
	v60 =	vadd.f32 v14, v13;
	(erf) = vpow2.f32 v22;
	v17 =	vpop (erf)  }
0x29f: {  	v62 =	vld [tilespmem:s31+$0x4070];
	v28 =	vmul.f32 $1.442695020e+00, v28;
	(erf) = vpow2.f32 v58;
	v18 =	vpop (erf);
	v26 =	vadd.f32 v32, v26  }
0x2a0: {  	v24 =	vmul.f32 $1.442695020e+00, v24;
	v22 =	vadd.f32 v16, v15;
	v63 =	vadd.f32 v18, v17  }
0x2a1: {  	v30 =	vadd.f32 v21, v30;
	(erf) = vpow2.f32 v23;
	v23 =	vperm.xlane v26, v3  }
0x2a2: {  	v53 =	vld [tilespmem:s17+$0x4010];
	v25 =	vadd.f32 v60, v59;
	(erf) = vpow2.f32 v28;
	v22 =	vadd.f32 v63, v22  }
0x2a3: {  	v40 =	vmul.f32 $1.442695020e+00, v54;
	v55 =	vld [tilespmem:s17+$0x4030];
	(erf) = vpow2.f32 v24;
	v23 =	vadd.f32 v26, v23  }
0x2a4: {  	v59 =	vld [tilespmem:s17+$0x4050];
	v26 =	vmul.f32 $1.442695020e+00, v61;
	v24 =	vadd.f32 v22, v25;
	v22 =	vmul.f32 $1.442695020e+00, v62  }
0x2a5: {  	v21 =	vadd.f32 v29, v19;
	v19 =	vmul.f32 v43, v39;
	v28 =	vld [tilespmem:s17+$0x4000];
	(erf) = vrcp.f32 v23  }
0x2a6: {  	v23 =	vperm.xlane v24, v0;
	(erf) = vpow2.f32 v26  }
0x2a7: {  	v20 =	vadd.f32 v56, v20;
	v44 =	vmul.f32 $1.442695020e+00, v53;
	(erf) = vpow2.f32 v22  }
0x2a8: {  	v56 =	vld [tilespmem:s17+$0x4040];
	v58 =	vmul.f32 v43, v36;
	v41 =	vmul.f32 $1.442695020e+00, v55;
	v22 =	vpop (erf);
	v57 =	vadd.f32 v24, v23  }
0x2a9: {  	v36 =	vmul.f32 $1.442695020e+00, v59;
	v25 =	vmul.f32 v43, v37;
	v23 =	vadd.f32 v19, v27;
	v19 =	vpop (erf)  }
0x2aa: {  	v61 =	vmul.f32 $1.442695020e+00, v28;
	v29 =	vpop (erf);
	v60 =	vperm.xlane v57, v1  }
0x2ab: {  	v26 =	vmul.f32 v43, v38;
	v27 =	vmul.f32 v43, v35;
	v32 =	vpop (erf)  }
0x2ac: {  	v24 =	vadd.f32 v25, v33;
	v43 =	vmul.f32 v43, v34;
	v33 =	vpop (erf);
	v62 =	vadd.f32 v57, v60  }
0x2ad: {  	v38 =	vmul.f32 $1.442695020e+00, v56;
	v26 =	vadd.f32 v26, v31;
	v25 =	vadd.f32 v27, v46;
	v34 =	vpop (erf)  }
0x2ae: {  	v27 =	vadd.f32 v58, v52;
	v28 =	vadd.f32 v43, v30;
	v63 =	vperm.xlane v62, v2;
	v30 =	vpop (erf)  }
0x2af: {  	v39 =	vadd.f32 v19, v22;
	v43 =	vadd.f32 v32, v29;
	v31 =	vpop (erf);
	v37 =	vmul.f32 v30, v42  }
0x2b0: {  	s18 =	simm.s32 $0x800;
	(erf) = vpow2.f32 v61;
	v45 =	vadd.f32 v34, v33;
	v42 =	vld [tilespmem:s17+$0x4060];
	v46 =	vadd.f32 v62, v63;
	v35 =	vpop (erf)  }
.LBB2_12:
0x2b1: {  	(erf) = vpow2.f32 v44;
	v44 =	vadd.f32 v35, v31;
	v20 =	vadd.f32 v37, v20;
	v37 =	vmovc v6;
	v6 =	vmovc v13  }
0x2b2: {  	p0 =	sne.s32 s18, $0xFE00;
	v47 =	vld [tilespmem:s17+$0x4070];
	v13 =	vmovc v29;
	v29 =	vmovc v7;
	v7 =	vmov v14;
	v14 =	vmov v32;
	v32 =	vmov v8  }
0x2b3: {  	v8 =	vmovc v15;
	v15 =	vmovc v33;
	v33 =	vmov v10;
	(erf) = vpow2.f32 v40;
	v40 =	vperm.xlane v46, v3  }
0x2b4: {  	v43 =	vadd.f32 v43, v39;
	v10 =	vmovc v16;
	v16 =	vmovc v34;
	(erf) = vpow2.f32 v41;
	v41 =	vadd.f32 v44, v45  }
0x2b5: {  	s17 =	sshra.s32 s18, $0x2;
	(erf) = vpow2.f32 v38;
	v34 =	vadd.f32 v46, v40;
	v38 =	vmul.f32 v30, v4;
	v4 =	vmovc v11;
	v11 =	vmovc v22  }
0x2b6: {  	v39 =	vmovc v9;
	v9 =	vmovc v17;
	v40 =	vld [tilespmem:s17+$0x4000];
	v22 =	vmul.f32 $1.442695020e+00, v42;
	(erf) = vpow2.f32 v36;
	v36 =	vadd.f32 v41, v43  }
0x2b7: {  	v17 =	vmovc v31;
	v45 =	vmovc v18;
	v41 =	vld [tilespmem:s17+$0x4010];
	v42 =	vmul.f32 $1.442695020e+00, v47;
	(erf) = vrcp.f32 v34;
	v21 =	vadd.f32 v38, v21  }
0x2b8: {  	v18 =	vmov v35;
	v31 =	vld [tilespmem:s17+$0x4020];
	(erf) = vpow2.f32 v22;
	v34 =	vperm.xlane v36, v0  }
0x2b9: {  	v38 =	vmul.f32 v30, v5;
	v5 =	vmovc v12;
	v12 =	vmov v19;
	v35 =	vld [tilespmem:s17+$0x4030];
	(erf) = vpow2.f32 v42  }
0x2ba: {  	v42 =	vld [tilespmem:s17+$0x4040];
	v22 =	vpop (erf);
	v34 =	vadd.f32 v36, v34;
	v36 =	vmul.f32 v30, v37;
	v37 =	vmul.f32 v30, v29  }
0x2bb: {  	v46 =	vmul.f32 v30, v33;
	v23 =	vadd.f32 v38, v23;
	v38 =	vmul.f32 v30, v32;
	v43 =	vld [tilespmem:s17+$0x4050];
	v19 =	vpop (erf)  }
0x2bc: {  	v39 =	vmul.f32 v30, v39;
	v29 =	vpop (erf);
	v47 =	vperm.xlane v34, v1;
	v24 =	vadd.f32 v36, v24  }
0x2bd: {  	v48 =	vmul.f32 $1.442695020e+00, v40;
	v25 =	vadd.f32 v38, v25;
	v26 =	vadd.f32 v37, v26;
	v32 =	vpop (erf)  }
.Ltmp5:
0x2be: {  	v44 =	vmul.f32 $1.442695020e+00, v41;
	v40 =	vmul.f32 $1.442695020e+00, v31;
	v33 =	vpop (erf);
	v47 =	vadd.f32 v34, v47;
	(pc) =	sbr.rel @p0 .LBB2_12-.Ltmp5, $4  }
0x2bf: {  	v27 =	vadd.f32 v46, v27;
	v41 =	vmul.f32 $1.442695020e+00, v35;
	v38 =	vmul.f32 $1.442695020e+00, v42;
	v34 =	vpop (erf)  }
0x2c0: {  	v28 =	vadd.f32 v39, v28;
	v36 =	vmul.f32 $1.442695020e+00, v43;
	v46 =	vperm.xlane v47, v2;
	v30 =	vpop (erf)  }
0x2c1: {  	v39 =	vadd.f32 v19, v22;
	v43 =	vadd.f32 v32, v29;
	v31 =	vpop (erf);
	v37 =	vmul.f32 v30, v45  }
0x2c2: {  	s18 =	sadd.s32 $0x200, s18;
	v45 =	vadd.f32 v34, v33;
	v42 =	vld [tilespmem:s17+$0x4060];
	(erf) = vpow2.f32 v48;
	v35 =	vpop (erf);
	v46 =	vadd.f32 v47, v46  }
0x2c3: {  	v47 =	vld [tilespmem:s17+$0x4070];
	(erf) = vpow2.f32 v44  }
0x2c4: {  	(erf) = vpow2.f32 v40;
	v51 =	vperm.xlane v46, v3  }
0x2c5: {  	(erf) = vpow2.f32 v41  }
0x2c6: {  	(erf) = vpow2.f32 v38;
	v52 =	vadd.f32 v46, v51  }
0x2c7: {  	v53 =	vmul.f32 $1.442695020e+00, v42;
	(erf) = vpow2.f32 v36  }
0x2c8: {  	v54 =	vmul.f32 $1.442695020e+00, v47;
	(erf) = vrcp.f32 v52  }
0x2c9: {  	(erf) = vpow2.f32 v53  }
0x2ca: {  	(erf) = vpow2.f32 v54  }
0x2cb: {  	v55 =	vpop (erf)  }
0x2cc: {  	v38 =	vpop (erf)  }
0x2cd: {  	v40 =	vpop (erf)  }
0x2ce: {  	v41 =	vpop (erf)  }
0x2cf: {  	v42 =	vpop (erf)  }
0x2d0: {  	v56 =	vadd.f32 v35, v31;
	v46 =	vpop (erf)  }
0x2d1: {  	v57 =	vpop (erf)  }
0x2d2: {  	v39 =	vadd.f32 v43, v39;
	v58 =	vadd.f32 v56, v45;
	v44 =	vpop (erf)  }
0x2d3: {  	v59 =	vadd.f32 v38, v55;
	v48 =	vadd.f32 v41, v40;
	v49 =	vpop (erf)  }
0x2d4: {  	v50 =	vadd.f32 v46, v42;
	v51 =	vadd.f32 v49, v44  }
0x2d5: {  	v39 =	vadd.f32 v58, v39  }
0x2d6: {  	v60 =	vadd.f32 v48, v59;
	v61 =	vadd.f32 v51, v50  }
0x2d7: {  	v62 =	vperm.xlane v39, v0  }
0x2d8: {  	v43 =	vadd.f32 v61, v60  }
0x2d9: {  	v39 =	vadd.f32 v39, v62  }
0x2da: {  	v45 =	vperm.xlane v43, v0  }
0x2db: {  	v48 =	vperm.xlane v39, v1  }
0x2dc: {  	v43 =	vadd.f32 v43, v45  }
0x2dd: {  	v39 =	vadd.f32 v39, v48  }
0x2de: {  	v45 =	vperm.xlane v43, v1  }
0x2df: {  	v48 =	vperm.xlane v39, v2  }
0x2e0: {  	v43 =	vadd.f32 v43, v45  }
0x2e1: {  	v39 =	vadd.f32 v39, v48  }
0x2e2: {  	v45 =	vperm.xlane v43, v2  }
0x2e3: {  	v48 =	vperm.xlane v39, v3  }
0x2e4: {  	v43 =	vadd.f32 v43, v45  }
0x2e5: {  	v39 =	vadd.f32 v39, v48  }
0x2e6: {  	v4 =	vmul.f32 v30, v4;
	v45 =	vperm.xlane v43, v3  }
0x2e7: {  	v20 =	vadd.f32 v37, v20;
	v5 =	vmul.f32 v30, v5;
	(erf) = vrcp.f32 v39  }
0x2e8: {  	v6 =	vmul.f32 v30, v6;
	v7 =	vmul.f32 v30, v7;
	v63 =	vadd.f32 v43, v45  }
0x2e9: {  	v8 =	vmul.f32 v30, v8;
	v10 =	vmul.f32 v30, v10;
	v4 =	vadd.f32 v4, v21  }
0x2ea: {  	v5 =	vadd.f32 v5, v23;
	v6 =	vadd.f32 v6, v24;
	(erf) = vrcp.f32 v63  }
0x2eb: {  	v9 =	vmul.f32 v30, v9;
	v7 =	vadd.f32 v7, v26;
	v8 =	vadd.f32 v8, v25  }
0x2ec: {  	v10 =	vadd.f32 v10, v27;
	v18 =	vmul.f32 v57, v18;
	v11 =	vmul.f32 v57, v11  }
0x2ed: {  	v9 =	vadd.f32 v9, v28;
	v12 =	vmul.f32 v57, v12;
	v27 =	vmul.f32 v57, v13  }
0x2ee: {  	v28 =	vmul.f32 v57, v14;
	v30 =	vmul.f32 v57, v15;
	v18 =	vadd.f32 v18, v20  }
0x2ef: {  	v37 =	vmul.f32 v57, v16;
	v4 =	vadd.f32 v11, v4;
	v5 =	vadd.f32 v12, v5  }
0x2f0: {  	v6 =	vadd.f32 v27, v6;
	v7 =	vadd.f32 v28, v7;
	v39 =	vmul.f32 v57, v17;
	v43 =	vpop (erf)  }
0x2f1: {  	v8 =	vadd.f32 v30, v8;
	v45 =	vmul.f32 v43, v22;
	v47 =	vmul.f32 v43, v35  }
0x2f2: {  	v10 =	vadd.f32 v37, v10;
	v48 =	vmul.f32 v43, v19;
	v50 =	vmul.f32 v43, v29  }
0x2f3: {  	v9 =	vadd.f32 v39, v9;
	v51 =	vmul.f32 v43, v32;
	v53 =	vmul.f32 v43, v33;
	v52 =	vpop (erf)  }
0x2f4: {  	v13 =	vmul.f32 v43, v31;
	v4 =	vadd.f32 v45, v4;
	v54 =	vmul.f32 v52, v55  }
0x2f5: {  	v5 =	vadd.f32 v48, v5;
	v6 =	vadd.f32 v50, v6;
	v56 =	vmul.f32 v52, v38  }
0x2f6: {  	v7 =	vadd.f32 v51, v7;
	v57 =	vmul.f32 v52, v40;
	v4 =	vadd.f32 v54, v4  }
0x2f7: {  	v8 =	vadd.f32 v53, v8;
	v58 =	vmul.f32 v52, v41;
	v5 =	vadd.f32 v56, v5  }
0x2f8: {  	v55 =	vmul.f32 v43, v34;
	v59 =	vmul.f32 v52, v42;
	v6 =	vadd.f32 v57, v6;
	[tilespmem:$0x8000] =	vst v4  }
0x2f9: {  	v62 =	vadd.f32 v47, v18;
	v63 =	vmul.f32 v52, v49;
	v7 =	vadd.f32 v58, v7;
	[tilespmem:$0x8010] =	vst v5  }
0x2fa: {  	v60 =	vmul.f32 v52, v46;
	v8 =	vadd.f32 v59, v8;
	v4 =	vadd.f32 v55, v10;
	[tilespmem:$0x8020] =	vst v6  }
0x2fb: {  	v61 =	vmul.f32 v52, v44;
	v5 =	vadd.f32 v13, v9;
	[tilespmem:$0x8030] =	vst v7;
	v6 =	vadd.f32 v63, v62  }
0x2fc: {  	[tilespmem:$0x8040] =	vst v8;
	v4 =	vadd.f32 v60, v4  }
0x2fd: {  	s16 =	sadd.s32 $0x1, s16;
	v5 =	vadd.f32 v61, v5;
	[tilespmem:$0x8070] =	vst v6  }
0x2fe: {  	p0 =	sne.s32 s16, s11;
	[tilespmem:$0x8050] =	vst v4  }
.Ltmp6:
0x2ff: {  	[tilespmem:$0x8060] =	vst v5;
	(pc) =	sbr.rel @p0 .LBB2_1-.Ltmp6, $4  }
0x300: {  	[hbm4b:s10+s2] =	stream.linear.scatter [tilespmem:s14], [sflag:$0x3], $0x80, $0x38;
	[tilespmem:$0x8080] =	vst v63  }
0x301: {  	_ =	swait.ge [sflag:s15], $0x80  }
0x302: {  	[sflag:s15] =	ssyncset.done $0x0  }
0x303: {  	[sflag:s15] =	ssyncadd.s32 $0xFFFFFF80  }
0x304: {  	_ =	sfence.sel $0x180000  }
0x305: {  	[bflag:$0x0] =	sbarrier.arrive $0xFFFF  }
0x306: {  	p0 =	sne.s32 s0, $0x0;
	_ =	strace $0x90000047  }
0x307: {  	s0 =	sadd.s32 @!p0 $0x100000, s1;
	[bflag:$0x2] =	sbarrier.arrive $0xFFFF  }
0x308: {  	[sflag:s0] =	ssyncadd.tile.s32 @!p0 $0x1;
	_ =	shalt  }
.Lfunc_end2:
_tile_overlayer_lowered:
.L_overlay_start_2:
0x309: {  	(tag) =	ssettag $0x2  }
0x30a: {  	s0 =	rddreg [dreg:$0x0];
	s2 =	stileid.u32  }
0x30b: {  	s1 =	rddreg [dreg:$0x1];
	p0 =	sne.s32 s2, $0x0  }
0x30c: {  	s3 =	rddreg [dreg:$0x2];
	[bflag:$0x3] =	sbarrier.arrive $0xFFFF;
	s2 =	simm.s32 @!p0 $0x1C03  }
0x30d: {  	[timem:s3], [sflag:s2] =	dma.local @!p0 [hbm:s0], s1  }
0x30e: {  	s0 =	simm.s32 @!p0 $0x3  }
0x30f: {  	_ =	swait.ge @!p0 [sflag:s0], s1  }
0x310: {  	s1 =	ssub.s32 @!p0 $0x0, s1;
	[sflag:s0] =	ssyncset.done @!p0 $0x0  }
0x311: {  	[sflag:s0] =	ssyncadd.s32 @!p0 s1  }
0x312: {  	[bflag:$0x3] =	sbarrier.arrive $0xFFFF  }
0x313: {  	_ =	shalt  }

</sc_bundles>
